<compile_context>
chip_gen: v7x
topology: tpu7x:2x2x1
jax: 0.10.2.dev20260603
libtpu: 0.0.44.dev20260713+nightly
codegen_flags: <defaults>
</compile_context>

<pallas_src>
import functools

import jax
import jax.numpy as jnp
from jax import lax
from jax.experimental import pallas as pl
from jax.experimental.pallas import tpu as pltpu
from jax.experimental.pallas import tpu_sc as plsc

N = 100000
D = 256
HALO = 12500
OUT_ROWS = N + 3 * HALO
NC, NS = 2, 16
NW = NC * NS
CHUNK = 128
NFULL = OUT_ROWS // CHUNK
TAIL_BASE = OUT_ROWS - CHUNK
ITERS = -(-NFULL // NW)

_mesh = plsc.VectorSubcoreMesh(core_axis_name="c", subcore_axis_name="s")


@functools.partial(
    pl.kernel,
    out_type=jax.ShapeDtypeStruct((OUT_ROWS, D), jnp.float32),
    mesh=_mesh,
    scratch_types=[
        pltpu.VMEM((CHUNK,), jnp.int32),
        pltpu.VMEM((CHUNK,), jnp.int32),
        pltpu.VMEM((CHUNK, D), jnp.float32),
        pltpu.VMEM((CHUNK, D), jnp.float32),
        pltpu.VMEM((CHUNK,), jnp.int32),
        pltpu.SemaphoreType.DMA,
        pltpu.SemaphoreType.DMA,
        pltpu.SemaphoreType.DMA,
        pltpu.SemaphoreType.DMA,
        pltpu.SemaphoreType.DMA,
        pltpu.SemaphoreType.DMA,
    ],
)
def _gather_rows(local_hbm, idx_hbm, tidx_hbm, oidx_hbm, out_hbm,
                 idx0_v, idx1_v, buf0_v, buf1_v, oidx_v,
                 semg0, semg1, semw0, semw1, semi0, semi1):
    wid = lax.axis_index("s") * NC + lax.axis_index("c")
    idx_v = (idx0_v, idx1_v)
    buf_v = (buf0_v, buf1_v)
    semg = (semg0, semg1)
    semw = (semw0, semw1)
    semi = (semi0, semi1)

    def chunk_of(i):
        return wid + i * NW

    def valid(i):
        return chunk_of(i) < NFULL

    def start_gather(b):
        pltpu.async_copy(local_hbm.at[idx_v[b]], buf_v[b], semg[b])

    def wait_gather(b):
        pltpu.make_async_copy(
            local_hbm.at[pl.ds(0, CHUNK)], buf_v[b], semg[b]).wait()

    def start_write(b, j):
        pltpu.async_copy(buf_v[b], out_hbm.at[pl.ds(j * CHUNK, CHUNK)],
                         semw[b])

    def wait_write(b):
        pltpu.make_async_copy(
            buf_v[b], out_hbm.at[pl.ds(0, CHUNK)], semw[b]).wait()

    def start_idx(b, j):
        pltpu.async_copy(idx_hbm.at[pl.ds(j * CHUNK, CHUNK)], idx_v[b],
                         semi[b])

    def wait_idx(b):
        pltpu.make_async_copy(
            idx_hbm.at[pl.ds(0, CHUNK)], idx_v[b], semi[b]).wait()

    start_idx(0, chunk_of(0))
    wait_idx(0)
    start_gather(0)
    start_idx(1, chunk_of(1))

    def body(k, carry):
        for b in (0, 1):
            i = k * 2 + b
            o = 1 - b

            @pl.when((i >= 1) & valid(i - 1))
            def _():
                wait_write(o)

            @pl.when(valid(i + 1))
            def _():
                wait_idx(o)
                start_gather(o)

            @pl.when(valid(i))
            def _():
                wait_gather(b)
                start_write(b, chunk_of(i))

            @pl.when(valid(i + 2))
            def _():
                start_idx(b, chunk_of(i + 2))

        return carry

    lax.fori_loop(0, ITERS // 2, body, 0)

    @pl.when(valid(ITERS - 1))
    def _():
        wait_write((ITERS - 1) % 2)

    @pl.when(wid == NW - 1)
    def _():
        pltpu.sync_copy(tidx_hbm, idx0_v)
        pltpu.sync_copy(oidx_hbm, oidx_v)
        pltpu.async_copy(local_hbm.at[idx0_v], buf0_v, semg0).wait()
        pltpu.async_copy(buf0_v, out_hbm.at[oidx_v], semw0).wait()


def kernel(local, lidx0, lidx1, lidx2, lidx3):
    del lidx0
    idx = jnp.concatenate([
        jnp.arange(N, dtype=jnp.int32),
        lidx1.astype(jnp.int32),
        lidx2.astype(jnp.int32),
        lidx3.astype(jnp.int32),
    ])
    tidx = lax.slice(idx, (TAIL_BASE,), (OUT_ROWS,))
    oidx = jnp.arange(TAIL_BASE, OUT_ROWS, dtype=jnp.int32)
    return _gather_rows(local, idx, tidx, oidx)

# --- scband reference (transcript-rebuilt; emitter-appended) ---
"""Pipeline reference for scband-halo-exchanger-77515569758657 (READ-ONLY COPY).

The authoritative reference and input builder live on the scoring server;
editing this copy changes nothing except your own understanding.
"""

import jax, jax.numpy as jnp
import numpy as np

# Single-rank simulation of HaloExchanger (is_for_selector=True, rank=0, world_size=4).
# The distributed p2p exchange is simulated as a loopback: the 'received' halo rows
# from peer u are modeled as gathers local[lidx_u]. This preserves the exact compute
# pattern of the module: per-peer gather (send packing) + concat into chunk buffer,
# with the local rank's contribution being the full `local` tensor (selector semantics
# when the self lidx is non-empty).

WORLD_SIZE = 4
RANK = 0
N = 100000          # input_elempart_length
D = 256             # element feature width
HALO = 12500        # per-peer halo length (symmetric send/recv)
SELF_LIDX = 5000    # self-rank lidx length (>0 -> selector keeps full local)


def setup_inputs(seed: int = 0) -> dict:
    key = jax.random.key(seed)
    ks = jax.random.split(key, 5)
    local = jax.random.normal(ks[0], (N, D), dtype=jnp.float32)
    lidx0 = jax.random.randint(ks[1], (SELF_LIDX,), 0, N, dtype=jnp.int64)
    lidx1 = jax.random.randint(ks[2], (HALO,), 0, N, dtype=jnp.int64)
    lidx2 = jax.random.randint(ks[3], (HALO,), 0, N, dtype=jnp.int64)
    lidx3 = jax.random.randint(ks[4], (HALO,), 0, N, dtype=jnp.int64)
    return {"local": local, "lidx0": lidx0, "lidx1": lidx1, "lidx2": lidx2, "lidx3": lidx3}


def reference(local, lidx0, lidx1, lidx2, lidx3):
    peer_lidxes = [lidx0, lidx1, lidx2, lidx3]
    recv_buffers = []
    for u in range(WORLD_SIZE):
        if u == RANK:
            # self rank: selector with non-empty self lidx keeps the whole local elempart
            if peer_lidxes[RANK].shape[0] > 0:
                recv_buffers.append(local)
        else:
            # send-side packing local[lidx] ; loopback-simulated recv buffer
            recv_buffers.append(jnp.take(local, peer_lidxes[u], axis=0))
    chunk_v = jnp.concatenate(recv_buffers, axis=0)
    return chunk_v

if __name__ == "__main__":
    import jax
    _d = setup_inputs()
    print(jax.jit(kernel)(*tuple(_d.values())))

</pallas_src>

<mosaic_0001>
#map = affine_map<(d0, d1) -> (0, 0)>
#map1 = affine_map<(d0, d1) -> (0)>
module attributes {stable_mosaic.version = 14 : i64} {
  func.func @_gather_rows(%arg0: i32, %arg1: i32, %arg2: memref<100000x256xf32, #tpu.memory_space<hbm>>, %arg3: memref<137500xi32, #tpu.memory_space<hbm>>, %arg4: memref<128xi32, #tpu.memory_space<hbm>>, %arg5: memref<128xi32, #tpu.memory_space<hbm>>, %arg6: memref<137500x256xf32, #tpu.memory_space<hbm>>, %arg7: memref<128xi32, #tpu.memory_space<vmem>>, %arg8: memref<128xi32, #tpu.memory_space<vmem>>, %arg9: memref<128x256xf32, #tpu.memory_space<vmem>>, %arg10: memref<128x256xf32, #tpu.memory_space<vmem>>, %arg11: memref<128xi32, #tpu.memory_space<vmem>>, %arg12: memref<!tpu.dma_semaphore, #tpu.memory_space<semaphore_mem>>, %arg13: memref<!tpu.dma_semaphore, #tpu.memory_space<semaphore_mem>>, %arg14: memref<!tpu.dma_semaphore, #tpu.memory_space<semaphore_mem>>, %arg15: memref<!tpu.dma_semaphore, #tpu.memory_space<semaphore_mem>>, %arg16: memref<!tpu.dma_semaphore, #tpu.memory_space<semaphore_mem>>, %arg17: memref<!tpu.dma_semaphore, #tpu.memory_space<semaphore_mem>>) attributes {dimension_semantics = [#tpu.dimension_semantics<core_parallel>, #tpu.dimension_semantics<subcore_parallel>], iteration_bounds = array<i64: 2, 16>, scalar_prefetch = 0 : i64, scratch_operands = 11 : i64, tpu.core_type = #tpu.core_type<sc_vector_subcore>, window_params = [{transform_indices = #map}, {transform_indices = #map1}, {transform_indices = #map1}, {transform_indices = #map1}, {transform_indices = #map}]} {
    %mul3A = arith.constant 2 : i32
    %mul3A_0 = arith.muli %arg1, %mul3A : i32
    %add3A = arith.addi %mul3A_0, %arg0 : i32
    %add3A_1 = arith.constant 0 : i32
    %add3A_2 = arith.addi %add3A, %add3A_1 : i32
    %mul3A_3 = arith.constant 128 : i32
    %mul3A_4 = arith.muli %add3A_2, %mul3A_3 : i32
    %dma_start3A = tpu.memref_slice %arg3[%mul3A_4] : memref<137500xi32, #tpu.memory_space<hbm>> -> memref<128xi32, #tpu.memory_space<hbm>>
    %dma_start3A_5 = tpu.memref_slice %arg3[%mul3A_4] : memref<137500xi32, #tpu.memory_space<hbm>> -> memref<128xi32, #tpu.memory_space<hbm>>
    tpu.enqueue_dma source(%dma_start3A_5 : memref<128xi32, #tpu.memory_space<hbm>>) target(%arg7 : memref<128xi32, #tpu.memory_space<vmem>>) target_semaphore(%arg16 : memref<!tpu.dma_semaphore, #tpu.memory_space<semaphore_mem>>)
    %dma_wait3A = arith.constant 0 : i32
    %dma_wait3A_6 = tpu.memref_slice %arg3[%dma_wait3A] : memref<137500xi32, #tpu.memory_space<hbm>> -> memref<128xi32, #tpu.memory_space<hbm>>
    %dma_wait3A_7 = arith.constant 0 : i32
    %dma_wait3A_8 = tpu.memref_slice %arg3[%dma_wait3A_7] : memref<137500xi32, #tpu.memory_space<hbm>> -> memref<128xi32, #tpu.memory_space<hbm>>
    tpu.wait_dma2 semaphore(%arg16 : memref<!tpu.dma_semaphore, #tpu.memory_space<semaphore_mem>>) src(%dma_wait3A_8 : memref<128xi32, #tpu.memory_space<hbm>>) dst(%arg7 : memref<128xi32, #tpu.memory_space<vmem>>)
    %dma_start3A_9 = arith.constant 0 : i32
    %dma_start3A_10 = arith.constant 0 : i32
    %dma_start3A_11 = tpu.memref_slice %arg2[%dma_start3A_9, %dma_start3A_10] : memref<100000x256xf32, #tpu.memory_space<hbm>> -> memref<100000x256xf32, #tpu.memory_space<hbm>>
    tpu.enqueue_indirect_dma source(%dma_start3A_11 : memref<100000x256xf32, #tpu.memory_space<hbm>>) target(%arg9 : memref<128x256xf32, #tpu.memory_space<vmem>>) offsets(%arg7 : memref<128xi32, #tpu.memory_space<vmem>>) semaphore(%arg12 : memref<!tpu.dma_semaphore, #tpu.memory_space<semaphore_mem>>)
    %add3A_12 = arith.constant 32 : i32
    %add3A_13 = arith.addi %add3A, %add3A_12 : i32
    %mul3A_14 = arith.constant 128 : i32
    %mul3A_15 = arith.muli %add3A_13, %mul3A_14 : i32
    %dma_start3A_16 = tpu.memref_slice %arg3[%mul3A_15] : memref<137500xi32, #tpu.memory_space<hbm>> -> memref<128xi32, #tpu.memory_space<hbm>>
    %dma_start3A_17 = tpu.memref_slice %arg3[%mul3A_15] : memref<137500xi32, #tpu.memory_space<hbm>> -> memref<128xi32, #tpu.memory_space<hbm>>
    tpu.enqueue_dma source(%dma_start3A_17 : memref<128xi32, #tpu.memory_space<hbm>>) target(%arg8 : memref<128xi32, #tpu.memory_space<vmem>>) target_semaphore(%arg17 : memref<!tpu.dma_semaphore, #tpu.memory_space<semaphore_mem>>)
    %scan3A = arith.constant 0 : i32
    %scan3A_18 = arith.constant 0 : i32
    %scan3A_19 = arith.constant 17 : i32
    %scan3A_20 = arith.addi %scan3A_18, %scan3A_19 : i32
    %scan3A_21 = arith.constant 1 : i32
    scf.for %scan3A_31 = %scan3A_18 to %scan3A_20 step %scan3A_21  : i32 {
      %mul3A_32 = arith.constant 2 : i32
      %mul3A_33 = arith.muli %scan3A_31, %mul3A_32 : i32
      %add3A_34 = arith.constant 0 : i32
      %add3A_35 = arith.addi %mul3A_33, %add3A_34 : i32
      %ge3A = arith.constant 1 : i32
      %ge3A_36 = arith.cmpi sge, %add3A_35, %ge3A : i32
      %sub3A = arith.constant 1 : i32
      %sub3A_37 = arith.subi %add3A_35, %sub3A : i32
      %mul3A_38 = arith.constant 32 : i32
      %mul3A_39 = arith.muli %sub3A_37, %mul3A_38 : i32
      %add3A_40 = arith.addi %add3A, %mul3A_39 : i32
      %lt3A_41 = arith.constant 1074 : i32
      %lt3A_42 = arith.cmpi slt, %add3A_40, %lt3A_41 : i32
      %and3A = arith.andi %ge3A_36, %lt3A_42 : i1
      %convert_element_type3A_43 = arith.extui %and3A : i1 to i32
      %cond3A_44 = arith.constant 0 : i32
      %cond3A_45 = arith.cmpi ne, %convert_element_type3A_43, %cond3A_44 : i32
      scf.if %cond3A_45 {
        %dma_wait3A_119 = arith.constant 0 : i32
        %dma_wait3A_120 = arith.constant 0 : i32
        %dma_wait3A_121 = tpu.memref_slice %arg6[%dma_wait3A_119, %dma_wait3A_120] : memref<137500x256xf32, #tpu.memory_space<hbm>> -> memref<128x256xf32, #tpu.memory_space<hbm>>
        %dma_wait3A_122 = arith.constant 0 : i32
        %dma_wait3A_123 = arith.constant 0 : i32
        %dma_wait3A_124 = tpu.memref_slice %arg6[%dma_wait3A_122, %dma_wait3A_123] : memref<137500x256xf32, #tpu.memory_space<hbm>> -> memref<128x256xf32, #tpu.memory_space<hbm>>
        tpu.wait_dma2 semaphore(%arg15 : memref<!tpu.dma_semaphore, #tpu.memory_space<semaphore_mem>>) src(%arg10 : memref<128x256xf32, #tpu.memory_space<vmem>>) dst(%dma_wait3A_124 : memref<128x256xf32, #tpu.memory_space<hbm>>)
      } else {
      }
      %add3A_46 = arith.constant 1 : i32
      %add3A_47 = arith.addi %add3A_35, %add3A_46 : i32
      %mul3A_48 = arith.constant 32 : i32
      %mul3A_49 = arith.muli %add3A_47, %mul3A_48 : i32
      %add3A_50 = arith.addi %add3A, %mul3A_49 : i32
      %lt3A_51 = arith.constant 1074 : i32
      %lt3A_52 = arith.cmpi slt, %add3A_50, %lt3A_51 : i32
      %convert_element_type3A_53 = arith.extui %lt3A_52 : i1 to i32
      %cond3A_54 = arith.constant 0 : i32
      %cond3A_55 = arith.cmpi ne, %convert_element_type3A_53, %cond3A_54 : i32
      scf.if %cond3A_55 {
        %dma_wait3A_119 = arith.constant 0 : i32
        %dma_wait3A_120 = tpu.memref_slice %arg3[%dma_wait3A_119] : memref<137500xi32, #tpu.memory_space<hbm>> -> memref<128xi32, #tpu.memory_space<hbm>>
        %dma_wait3A_121 = arith.constant 0 : i32
        %dma_wait3A_122 = tpu.memref_slice %arg3[%dma_wait3A_121] : memref<137500xi32, #tpu.memory_space<hbm>> -> memref<128xi32, #tpu.memory_space<hbm>>
        tpu.wait_dma2 semaphore(%arg17 : memref<!tpu.dma_semaphore, #tpu.memory_space<semaphore_mem>>) src(%dma_wait3A_122 : memref<128xi32, #tpu.memory_space<hbm>>) dst(%arg8 : memref<128xi32, #tpu.memory_space<vmem>>)
        %dma_start3A_123 = arith.constant 0 : i32
        %dma_start3A_124 = arith.constant 0 : i32
        %dma_start3A_125 = tpu.memref_slice %arg2[%dma_start3A_123, %dma_start3A_124] : memref<100000x256xf32, #tpu.memory_space<hbm>> -> memref<100000x256xf32, #tpu.memory_space<hbm>>
        tpu.enqueue_indirect_dma source(%dma_start3A_125 : memref<100000x256xf32, #tpu.memory_space<hbm>>) target(%arg10 : memref<128x256xf32, #tpu.memory_space<vmem>>) offsets(%arg8 : memref<128xi32, #tpu.memory_space<vmem>>) semaphore(%arg13 : memref<!tpu.dma_semaphore, #tpu.memory_space<semaphore_mem>>)
      } else {
      }
      %mul3A_56 = arith.constant 32 : i32
      %mul3A_57 = arith.muli %add3A_35, %mul3A_56 : i32
      %add3A_58 = arith.addi %add3A, %mul3A_57 : i32
      %lt3A_59 = arith.constant 1074 : i32
      %lt3A_60 = arith.cmpi slt, %add3A_58, %lt3A_59 : i32
      %convert_element_type3A_61 = arith.extui %lt3A_60 : i1 to i32
      %cond3A_62 = arith.constant 0 : i32
      %cond3A_63 = arith.cmpi ne, %convert_element_type3A_61, %cond3A_62 : i32
      scf.if %cond3A_63 {
        %dma_wait3A_119 = arith.constant 0 : i32
        %dma_wait3A_120 = arith.constant 0 : i32
        %dma_wait3A_121 = tpu.memref_slice %arg2[%dma_wait3A_119, %dma_wait3A_120] : memref<100000x256xf32, #tpu.memory_space<hbm>> -> memref<128x256xf32, #tpu.memory_space<hbm>>
        %dma_wait3A_122 = arith.constant 0 : i32
        %dma_wait3A_123 = arith.constant 0 : i32
        %dma_wait3A_124 = tpu.memref_slice %arg2[%dma_wait3A_122, %dma_wait3A_123] : memref<100000x256xf32, #tpu.memory_space<hbm>> -> memref<128x256xf32, #tpu.memory_space<hbm>>
        tpu.wait_dma2 semaphore(%arg12 : memref<!tpu.dma_semaphore, #tpu.memory_space<semaphore_mem>>) src(%dma_wait3A_124 : memref<128x256xf32, #tpu.memory_space<hbm>>) dst(%arg9 : memref<128x256xf32, #tpu.memory_space<vmem>>)
        %mul3A_125 = arith.constant 32 : i32
        %mul3A_126 = arith.muli %add3A_35, %mul3A_125 : i32
        %add3A_127 = arith.addi %add3A, %mul3A_126 : i32
        %mul3A_128 = arith.constant 128 : i32
        %mul3A_129 = arith.muli %add3A_127, %mul3A_128 : i32
        %dma_start3A_130 = arith.constant 0 : i32
        %dma_start3A_131 = tpu.memref_slice %arg6[%mul3A_129, %dma_start3A_130] : memref<137500x256xf32, #tpu.memory_space<hbm>> -> memref<128x256xf32, #tpu.memory_space<hbm>>
        %dma_start3A_132 = arith.constant 0 : i32
        %dma_start3A_133 = tpu.memref_slice %arg6[%mul3A_129, %dma_start3A_132] : memref<137500x256xf32, #tpu.memory_space<hbm>> -> memref<128x256xf32, #tpu.memory_space<hbm>>
        tpu.enqueue_dma source(%arg9 : memref<128x256xf32, #tpu.memory_space<vmem>>) target(%dma_start3A_133 : memref<128x256xf32, #tpu.memory_space<hbm>>) target_semaphore(%arg14 : memref<!tpu.dma_semaphore, #tpu.memory_space<semaphore_mem>>)
      } else {
      }
      %add3A_64 = arith.constant 2 : i32
      %add3A_65 = arith.addi %add3A_35, %add3A_64 : i32
      %mul3A_66 = arith.constant 32 : i32
      %mul3A_67 = arith.muli %add3A_65, %mul3A_66 : i32
      %add3A_68 = arith.addi %add3A, %mul3A_67 : i32
      %lt3A_69 = arith.constant 1074 : i32
      %lt3A_70 = arith.cmpi slt, %add3A_68, %lt3A_69 : i32
      %convert_element_type3A_71 = arith.extui %lt3A_70 : i1 to i32
      %cond3A_72 = arith.constant 0 : i32
      %cond3A_73 = arith.cmpi ne, %convert_element_type3A_71, %cond3A_72 : i32
      scf.if %cond3A_73 {
        %add3A_119 = arith.constant 2 : i32
        %add3A_120 = arith.addi %add3A_35, %add3A_119 : i32
        %mul3A_121 = arith.constant 32 : i32
        %mul3A_122 = arith.muli %add3A_120, %mul3A_121 : i32
        %add3A_123 = arith.addi %add3A, %mul3A_122 : i32
        %mul3A_124 = arith.constant 128 : i32
        %mul3A_125 = arith.muli %add3A_123, %mul3A_124 : i32
        %dma_start3A_126 = tpu.memref_slice %arg3[%mul3A_125] : memref<137500xi32, #tpu.memory_space<hbm>> -> memref<128xi32, #tpu.memory_space<hbm>>
        %dma_start3A_127 = tpu.memref_slice %arg3[%mul3A_125] : memref<137500xi32, #tpu.memory_space<hbm>> -> memref<128xi32, #tpu.memory_space<hbm>>
        tpu.enqueue_dma source(%dma_start3A_127 : memref<128xi32, #tpu.memory_space<hbm>>) target(%arg7 : memref<128xi32, #tpu.memory_space<vmem>>) target_semaphore(%arg16 : memref<!tpu.dma_semaphore, #tpu.memory_space<semaphore_mem>>)
      } else {
      }
      %mul3A_74 = arith.constant 2 : i32
      %mul3A_75 = arith.muli %scan3A_31, %mul3A_74 : i32
      %add3A_76 = arith.constant 1 : i32
      %add3A_77 = arith.addi %mul3A_75, %add3A_76 : i32
      %ge3A_78 = arith.constant 1 : i32
      %ge3A_79 = arith.cmpi sge, %add3A_77, %ge3A_78 : i32
      %sub3A_80 = arith.constant 1 : i32
      %sub3A_81 = arith.subi %add3A_77, %sub3A_80 : i32
      %mul3A_82 = arith.constant 32 : i32
      %mul3A_83 = arith.muli %sub3A_81, %mul3A_82 : i32
      %add3A_84 = arith.addi %add3A, %mul3A_83 : i32
      %lt3A_85 = arith.constant 1074 : i32
      %lt3A_86 = arith.cmpi slt, %add3A_84, %lt3A_85 : i32
      %and3A_87 = arith.andi %ge3A_79, %lt3A_86 : i1
      %convert_element_type3A_88 = arith.extui %and3A_87 : i1 to i32
      %cond3A_89 = arith.constant 0 : i32
      %cond3A_90 = arith.cmpi ne, %convert_element_type3A_88, %cond3A_89 : i32
      scf.if %cond3A_90 {
        %dma_wait3A_119 = arith.constant 0 : i32
        %dma_wait3A_120 = arith.constant 0 : i32
        %dma_wait3A_121 = tpu.memref_slice %arg6[%dma_wait3A_119, %dma_wait3A_120] : memref<137500x256xf32, #tpu.memory_space<hbm>> -> memref<128x256xf32, #tpu.memory_space<hbm>>
        %dma_wait3A_122 = arith.constant 0 : i32
        %dma_wait3A_123 = arith.constant 0 : i32
        %dma_wait3A_124 = tpu.memref_slice %arg6[%dma_wait3A_122, %dma_wait3A_123] : memref<137500x256xf32, #tpu.memory_space<hbm>> -> memref<128x256xf32, #tpu.memory_space<hbm>>
        tpu.wait_dma2 semaphore(%arg14 : memref<!tpu.dma_semaphore, #tpu.memory_space<semaphore_mem>>) src(%arg9 : memref<128x256xf32, #tpu.memory_space<vmem>>) dst(%dma_wait3A_124 : memref<128x256xf32, #tpu.memory_space<hbm>>)
      } else {
      }
      %add3A_91 = arith.constant 1 : i32
      %add3A_92 = arith.addi %add3A_77, %add3A_91 : i32
      %mul3A_93 = arith.constant 32 : i32
      %mul3A_94 = arith.muli %add3A_92, %mul3A_93 : i32
      %add3A_95 = arith.addi %add3A, %mul3A_94 : i32
      %lt3A_96 = arith.constant 1074 : i32
      %lt3A_97 = arith.cmpi slt, %add3A_95, %lt3A_96 : i32
      %convert_element_type3A_98 = arith.extui %lt3A_97 : i1 to i32
      %cond3A_99 = arith.constant 0 : i32
      %cond3A_100 = arith.cmpi ne, %convert_element_type3A_98, %cond3A_99 : i32
      scf.if %cond3A_100 {
        %dma_wait3A_119 = arith.constant 0 : i32
        %dma_wait3A_120 = tpu.memref_slice %arg3[%dma_wait3A_119] : memref<137500xi32, #tpu.memory_space<hbm>> -> memref<128xi32, #tpu.memory_space<hbm>>
        %dma_wait3A_121 = arith.constant 0 : i32
        %dma_wait3A_122 = tpu.memref_slice %arg3[%dma_wait3A_121] : memref<137500xi32, #tpu.memory_space<hbm>> -> memref<128xi32, #tpu.memory_space<hbm>>
        tpu.wait_dma2 semaphore(%arg16 : memref<!tpu.dma_semaphore, #tpu.memory_space<semaphore_mem>>) src(%dma_wait3A_122 : memref<128xi32, #tpu.memory_space<hbm>>) dst(%arg7 : memref<128xi32, #tpu.memory_space<vmem>>)
        %dma_start3A_123 = arith.constant 0 : i32
        %dma_start3A_124 = arith.constant 0 : i32
        %dma_start3A_125 = tpu.memref_slice %arg2[%dma_start3A_123, %dma_start3A_124] : memref<100000x256xf32, #tpu.memory_space<hbm>> -> memref<100000x256xf32, #tpu.memory_space<hbm>>
        tpu.enqueue_indirect_dma source(%dma_start3A_125 : memref<100000x256xf32, #tpu.memory_space<hbm>>) target(%arg9 : memref<128x256xf32, #tpu.memory_space<vmem>>) offsets(%arg7 : memref<128xi32, #tpu.memory_space<vmem>>) semaphore(%arg12 : memref<!tpu.dma_semaphore, #tpu.memory_space<semaphore_mem>>)
      } else {
      }
      %mul3A_101 = arith.constant 32 : i32
      %mul3A_102 = arith.muli %add3A_77, %mul3A_101 : i32
      %add3A_103 = arith.addi %add3A, %mul3A_102 : i32
      %lt3A_104 = arith.constant 1074 : i32
      %lt3A_105 = arith.cmpi slt, %add3A_103, %lt3A_104 : i32
      %convert_element_type3A_106 = arith.extui %lt3A_105 : i1 to i32
      %cond3A_107 = arith.constant 0 : i32
      %cond3A_108 = arith.cmpi ne, %convert_element_type3A_106, %cond3A_107 : i32
      scf.if %cond3A_108 {
        %dma_wait3A_119 = arith.constant 0 : i32
        %dma_wait3A_120 = arith.constant 0 : i32
        %dma_wait3A_121 = tpu.memref_slice %arg2[%dma_wait3A_119, %dma_wait3A_120] : memref<100000x256xf32, #tpu.memory_space<hbm>> -> memref<128x256xf32, #tpu.memory_space<hbm>>
        %dma_wait3A_122 = arith.constant 0 : i32
        %dma_wait3A_123 = arith.constant 0 : i32
        %dma_wait3A_124 = tpu.memref_slice %arg2[%dma_wait3A_122, %dma_wait3A_123] : memref<100000x256xf32, #tpu.memory_space<hbm>> -> memref<128x256xf32, #tpu.memory_space<hbm>>
        tpu.wait_dma2 semaphore(%arg13 : memref<!tpu.dma_semaphore, #tpu.memory_space<semaphore_mem>>) src(%dma_wait3A_124 : memref<128x256xf32, #tpu.memory_space<hbm>>) dst(%arg10 : memref<128x256xf32, #tpu.memory_space<vmem>>)
        %mul3A_125 = arith.constant 32 : i32
        %mul3A_126 = arith.muli %add3A_77, %mul3A_125 : i32
        %add3A_127 = arith.addi %add3A, %mul3A_126 : i32
        %mul3A_128 = arith.constant 128 : i32
        %mul3A_129 = arith.muli %add3A_127, %mul3A_128 : i32
        %dma_start3A_130 = arith.constant 0 : i32
        %dma_start3A_131 = tpu.memref_slice %arg6[%mul3A_129, %dma_start3A_130] : memref<137500x256xf32, #tpu.memory_space<hbm>> -> memref<128x256xf32, #tpu.memory_space<hbm>>
        %dma_start3A_132 = arith.constant 0 : i32
        %dma_start3A_133 = tpu.memref_slice %arg6[%mul3A_129, %dma_start3A_132] : memref<137500x256xf32, #tpu.memory_space<hbm>> -> memref<128x256xf32, #tpu.memory_space<hbm>>
        tpu.enqueue_dma source(%arg10 : memref<128x256xf32, #tpu.memory_space<vmem>>) target(%dma_start3A_133 : memref<128x256xf32, #tpu.memory_space<hbm>>) target_semaphore(%arg15 : memref<!tpu.dma_semaphore, #tpu.memory_space<semaphore_mem>>)
      } else {
      }
      %add3A_109 = arith.constant 2 : i32
      %add3A_110 = arith.addi %add3A_77, %add3A_109 : i32
      %mul3A_111 = arith.constant 32 : i32
      %mul3A_112 = arith.muli %add3A_110, %mul3A_111 : i32
      %add3A_113 = arith.addi %add3A, %mul3A_112 : i32
      %lt3A_114 = arith.constant 1074 : i32
      %lt3A_115 = arith.cmpi slt, %add3A_113, %lt3A_114 : i32
      %convert_element_type3A_116 = arith.extui %lt3A_115 : i1 to i32
      %cond3A_117 = arith.constant 0 : i32
      %cond3A_118 = arith.cmpi ne, %convert_element_type3A_116, %cond3A_117 : i32
      scf.if %cond3A_118 {
        %add3A_119 = arith.constant 2 : i32
        %add3A_120 = arith.addi %add3A_77, %add3A_119 : i32
        %mul3A_121 = arith.constant 32 : i32
        %mul3A_122 = arith.muli %add3A_120, %mul3A_121 : i32
        %add3A_123 = arith.addi %add3A, %mul3A_122 : i32
        %mul3A_124 = arith.constant 128 : i32
        %mul3A_125 = arith.muli %add3A_123, %mul3A_124 : i32
        %dma_start3A_126 = tpu.memref_slice %arg3[%mul3A_125] : memref<137500xi32, #tpu.memory_space<hbm>> -> memref<128xi32, #tpu.memory_space<hbm>>
        %dma_start3A_127 = tpu.memref_slice %arg3[%mul3A_125] : memref<137500xi32, #tpu.memory_space<hbm>> -> memref<128xi32, #tpu.memory_space<hbm>>
        tpu.enqueue_dma source(%dma_start3A_127 : memref<128xi32, #tpu.memory_space<hbm>>) target(%arg8 : memref<128xi32, #tpu.memory_space<vmem>>) target_semaphore(%arg17 : memref<!tpu.dma_semaphore, #tpu.memory_space<semaphore_mem>>)
      } else {
      }
    }
    %scan3A_22 = arith.constant 17 : i32
    %add3A_23 = arith.constant 1056 : i32
    %add3A_24 = arith.addi %add3A, %add3A_23 : i32
    %lt3A = arith.constant 1074 : i32
    %lt3A_25 = arith.cmpi slt, %add3A_24, %lt3A : i32
    %convert_element_type3A = arith.extui %lt3A_25 : i1 to i32
    %cond3A = arith.constant 0 : i32
    %cond3A_26 = arith.cmpi ne, %convert_element_type3A, %cond3A : i32
    scf.if %cond3A_26 {
      %dma_wait3A_31 = arith.constant 0 : i32
      %dma_wait3A_32 = arith.constant 0 : i32
      %dma_wait3A_33 = tpu.memref_slice %arg6[%dma_wait3A_31, %dma_wait3A_32] : memref<137500x256xf32, #tpu.memory_space<hbm>> -> memref<128x256xf32, #tpu.memory_space<hbm>>
      %dma_wait3A_34 = arith.constant 0 : i32
      %dma_wait3A_35 = arith.constant 0 : i32
      %dma_wait3A_36 = tpu.memref_slice %arg6[%dma_wait3A_34, %dma_wait3A_35] : memref<137500x256xf32, #tpu.memory_space<hbm>> -> memref<128x256xf32, #tpu.memory_space<hbm>>
      tpu.wait_dma2 semaphore(%arg15 : memref<!tpu.dma_semaphore, #tpu.memory_space<semaphore_mem>>) src(%arg10 : memref<128x256xf32, #tpu.memory_space<vmem>>) dst(%dma_wait3A_36 : memref<128x256xf32, #tpu.memory_space<hbm>>)
    } else {
    }
    %eq3A = arith.constant 31 : i32
    %eq3A_27 = arith.cmpi eq, %add3A, %eq3A : i32
    %convert_element_type3A_28 = arith.extui %eq3A_27 : i1 to i32
    %cond3A_29 = arith.constant 0 : i32
    %cond3A_30 = arith.cmpi ne, %convert_element_type3A_28, %cond3A_29 : i32
    scf.if %cond3A_30 {
      "tpu.region"() ({
        %run_scoped3A = tpu.sem_alloc : memref<!tpu.dma_semaphore, #tpu.memory_space<semaphore_mem>>
        tpu.enqueue_dma source(%arg4 : memref<128xi32, #tpu.memory_space<hbm>>) target(%arg7 : memref<128xi32, #tpu.memory_space<vmem>>) target_semaphore(%run_scoped3A : memref<!tpu.dma_semaphore, #tpu.memory_space<semaphore_mem>>)
        tpu.wait_dma2 semaphore(%run_scoped3A : memref<!tpu.dma_semaphore, #tpu.memory_space<semaphore_mem>>) src(%arg4 : memref<128xi32, #tpu.memory_space<hbm>>) dst(%arg7 : memref<128xi32, #tpu.memory_space<vmem>>)
        tpu.yield
      }) : () -> ()
      "tpu.region"() ({
        %run_scoped3A = tpu.sem_alloc : memref<!tpu.dma_semaphore, #tpu.memory_space<semaphore_mem>>
        tpu.enqueue_dma source(%arg5 : memref<128xi32, #tpu.memory_space<hbm>>) target(%arg11 : memref<128xi32, #tpu.memory_space<vmem>>) target_semaphore(%run_scoped3A : memref<!tpu.dma_semaphore, #tpu.memory_space<semaphore_mem>>)
        tpu.wait_dma2 semaphore(%run_scoped3A : memref<!tpu.dma_semaphore, #tpu.memory_space<semaphore_mem>>) src(%arg5 : memref<128xi32, #tpu.memory_space<hbm>>) dst(%arg11 : memref<128xi32, #tpu.memory_space<vmem>>)
        tpu.yield
      }) : () -> ()
      %dma_start3A_31 = arith.constant 0 : i32
      %dma_start3A_32 = arith.constant 0 : i32
      %dma_start3A_33 = tpu.memref_slice %arg2[%dma_start3A_31, %dma_start3A_32] : memref<100000x256xf32, #tpu.memory_space<hbm>> -> memref<100000x256xf32, #tpu.memory_space<hbm>>
      tpu.enqueue_indirect_dma source(%dma_start3A_33 : memref<100000x256xf32, #tpu.memory_space<hbm>>) target(%arg9 : memref<128x256xf32, #tpu.memory_space<vmem>>) offsets(%arg7 : memref<128xi32, #tpu.memory_space<vmem>>) semaphore(%arg12 : memref<!tpu.dma_semaphore, #tpu.memory_space<semaphore_mem>>)
      %dma_wait3A_34 = arith.constant 0 : i32
      %dma_wait3A_35 = arith.constant 0 : i32
      %dma_wait3A_36 = tpu.memref_slice %arg2[%dma_wait3A_34, %dma_wait3A_35] : memref<100000x256xf32, #tpu.memory_space<hbm>> -> memref<100000x256xf32, #tpu.memory_space<hbm>>
      tpu.wait_indirect_dma semaphore(%arg12 : memref<!tpu.dma_semaphore, #tpu.memory_space<semaphore_mem>>) src(%dma_wait3A_36 : memref<100000x256xf32, #tpu.memory_space<hbm>>) dst(%arg9 : memref<128x256xf32, #tpu.memory_space<vmem>>)
      %dma_start3A_37 = arith.constant 0 : i32
      %dma_start3A_38 = arith.constant 0 : i32
      %dma_start3A_39 = tpu.memref_slice %arg6[%dma_start3A_37, %dma_start3A_38] : memref<137500x256xf32, #tpu.memory_space<hbm>> -> memref<137500x256xf32, #tpu.memory_space<hbm>>
      tpu.enqueue_indirect_dma source(%arg9 : memref<128x256xf32, #tpu.memory_space<vmem>>) target(%dma_start3A_39 : memref<137500x256xf32, #tpu.memory_space<hbm>>) offsets(%arg11 : memref<128xi32, #tpu.memory_space<vmem>>) semaphore(%arg14 : memref<!tpu.dma_semaphore, #tpu.memory_space<semaphore_mem>>)
      %dma_wait3A_40 = arith.constant 0 : i32
      %dma_wait3A_41 = arith.constant 0 : i32
      %dma_wait3A_42 = tpu.memref_slice %arg6[%dma_wait3A_40, %dma_wait3A_41] : memref<137500x256xf32, #tpu.memory_space<hbm>> -> memref<137500x256xf32, #tpu.memory_space<hbm>>
      tpu.wait_indirect_dma semaphore(%arg14 : memref<!tpu.dma_semaphore, #tpu.memory_space<semaphore_mem>>) src(%arg9 : memref<128x256xf32, #tpu.memory_space<vmem>>) dst(%dma_wait3A_42 : memref<137500x256xf32, #tpu.memory_space<hbm>>)
    } else {
    }
    return
  }
}

</mosaic_0001>

<sc_bundles>
// kernel: kernel.3.cloned.1.call-start
scs
__scs_entry_jumppad:
0x0: {  	(pc) =	sbr.rel $0x88, $3  }
0x1: {  	(tag) =	ssettag $0x0;
	lr =	simm.s32 $0x1  }
0x2: {  	[smem:$0x3F9D] =	sst lr;
	_ =	strace $0xD0000000  }
0x3: {  	_ = 	snop  }
0x4: {  	_ = 	snop  }
0x5: {  	_ = 	snop  }
0x6: {  	_ = 	snop  }
0x7: {  	_ = 	snop  }
__scs_overlays_trampoline_lowered:
0x8: {  	[smem:$0x3FAC] =	sst s0  }
0x9: {  	[smem:$0x3FAD] =	sst s1  }
0xa: {  	[smem:$0x3FAE] =	sst s2  }
0xb: {  	[smem:$0x3FAF] =	sst s3  }
0xc: {  	[smem:$0x3FB0] =	sst s4  }
0xd: {  	[smem:$0x3FB1] =	sst s5  }
0xe: {  	[smem:$0x3FB2] =	sst s6  }
0xf: {  	[smem:$0x3FB3] =	sst s7  }
0x10: {  	[smem:$0x3FB4] =	sst s8  }
0x11: {  	[smem:$0x3FB5] =	sst s9;
	s0 =	simm.s32 @!p0 $0x0  }
0x12: {  	s1 =	sld [smem:$0x3F9B];
	s0 =	simm.s32 @p0 $0x1  }
0x13: {  	[smem:$0x3FB6] =	sst s0;
	s0 =	simm.s32 @!p1 $0x0  }
0x14: {  	s2 =	sld [smem:$0x3F9A];
	s0 =	simm.s32 @p1 $0x1  }
0x15: {  	[smem:$0x3FB7] =	sst s0;
	s0 =	simm.s32 @!p2 $0x0  }
0x16: {  	s3 =	sld [smem:$0x3FDB];
	s0 =	simm.s32 @p2 $0x1  }
0x17: {  	s4 =	simm.s32 $0x1BF5;
	[smem:$0x3FB9] =	sst s0  }
0x18: {  	s0 =	sld [smem:$0x3F9C];
	_ =	swait.ge [sflag:s4], $0x0  }
0x19: {  	s7 =	sld [smem:$0x3F9D]  }
0x1a: {  	s8 =	sadd.s32 $0xFFFFE003, lr  }
0x1b: {  	s9 =	sadd.s32 $0xFFFFFEF7, lr;
	s5 =	simm.s32 $0xFFFFFFFF;
	p2 =	slt.u32 s8, $0xFFFFF086  }
0x1c: {  	p1 =	slt.u32 s9, $0xF7A;
	s5 =	simm.s32 @!p2 $0x0  }
0x1d: {  	s5 =	simm.s32 @p1 $0x1;
	p0 =	seq.s32 s7, s2  }
0x1e: {  	s7 =	smul.u32 @!p0 $0xF7A, s2;
	p2 =	seq.s32 @!p0 s5, $0x0  }
0x1f: {  	s9 =	smul.u32 $0xF7A, s1;
	s8 =	simm.s32 @!p0 $0x1BF5;
	p2 =	por !p2, p0  }
0x20: {  	[sflag:s8] =	ssyncset.s32 @!p0 $0xFFFFF086;
	s6 =	sadd.s32 @!p0 s3, s7;
	s7 =	simm.s32 @!p0 $0x108  }
0x21: {  	s3 =	sadd.s32 s3, s9;
	s6 =	sadd.s32 @!p0 $0x88, s6;
	s7 =	simm.s32 @p2 $0x1082  }
0x22: {  	[simem:s7], [sflag:s8] =	dma.local @!p0 [hbm:s6], $0xF7A  }
0x23: {  	s9 =	sor.u32 $0xD0000000, s2;
	s6 =	simm.s32 $0x108;
	_ =	swait.ge @!p0 [sflag:s8], $0x0  }
0x24: {  	s3 =	sadd.s32 $0x88, s3;
	s6 =	simm.s32 @!p1 $0x1082;
	[sflag:s4] =	ssyncset.s32 $0xFFFFF086  }
0x25: {  	[simem:s6], [sflag:s4] =	dma.local [hbm:s3], $0xF7A  }
0x26: {  	[smem:$0x3F9D] =	sst s1;
	(tag) =	ssettag s2;
	_ =	strace s9  }
0x27: {  	s1 =	sld [smem:$0x3FAD]  }
0x28: {  	s2 =	sld [smem:$0x3FAE]  }
0x29: {  	s4 =	sld [smem:$0x3FB0]  }
0x2a: {  	p0 =	seq.s32 s5, $0x0;
	s5 =	sld [smem:$0x3FB1]  }
0x2b: {  	s6 =	sld [smem:$0x3FB2]  }
0x2c: {  	s7 =	sld [smem:$0x3FB3]  }
0x2d: {  	s3 =	simm.s32 $0x108;
	s8 =	sld [smem:$0x3FB4]  }
0x2e: {  	s3 =	simm.s32 @!p0 $0x1082;
	s9 =	sld [smem:$0x3FB5]  }
0x2f: {  	lr =	sadd.s32 s0, s3;
	s0 =	sld [smem:$0x3FAC]  }
0x30: {  	s3 =	sld [smem:$0x3FAF]  }
0x31: {  	[smem:$0x3FB8] =	sst s10  }
0x32: {  	s10 =	sld [smem:$0x3FB6];
	_ =	sdelay $0x3  }
0x33: {  	p0 =	seq.s32 s10, $0x1;
	s10 =	sld [smem:$0x3FB8];
	_ =	sdelay $0x3  }
0x34: {  	[smem:$0x3FB8] =	sst s10  }
0x35: {  	s10 =	sld [smem:$0x3FB7];
	_ =	sdelay $0x3  }
0x36: {  	p1 =	seq.s32 s10, $0x1;
	s10 =	sld [smem:$0x3FB8];
	_ =	sdelay $0x3  }
0x37: {  	[smem:$0x3FB8] =	sst s10  }
0x38: {  	s10 =	sld [smem:$0x3FB9]  }
0x39: {  	_ = 	snop;
	(pc) =	sbr.ind lr, $3  }
0x3a: {  	_ = 	snop  }
0x3b: {  	_ = 	snop  }
0x3c: {  	p2 =	seq.s32 s10, $0x1;
	s10 =	sld [smem:$0x3FB8]  }
0x3d: {  	_ =	shalt  }
0x3e: {  	_ =	shalt  }
0x3f: {  	_ =	shalt  }
0x40: {  	_ =	shalt  }
0x41: {  	_ =	shalt  }
0x42: {  	_ =	shalt  }
0x43: {  	_ =	shalt  }
0x44: {  	_ =	shalt  }
0x45: {  	_ =	shalt  }
0x46: {  	_ =	shalt  }
0x47: {  	_ =	shalt  }
0x48: {  	_ =	shalt  }
0x49: {  	_ =	shalt  }
0x4a: {  	_ =	shalt  }
0x4b: {  	_ =	shalt  }
0x4c: {  	_ =	shalt  }
0x4d: {  	_ =	shalt  }
0x4e: {  	_ =	shalt  }
0x4f: {  	_ =	shalt  }
0x50: {  	_ =	shalt  }
0x51: {  	_ =	shalt  }
0x52: {  	_ =	shalt  }
0x53: {  	_ =	shalt  }
0x54: {  	_ =	shalt  }
0x55: {  	_ =	shalt  }
0x56: {  	_ =	shalt  }
0x57: {  	_ =	shalt  }
0x58: {  	_ =	shalt  }
0x59: {  	_ =	shalt  }
0x5a: {  	_ =	shalt  }
0x5b: {  	_ =	shalt  }
0x5c: {  	_ =	shalt  }
0x5d: {  	_ =	shalt  }
0x5e: {  	_ =	shalt  }
0x5f: {  	_ =	shalt  }
0x60: {  	_ =	shalt  }
0x61: {  	_ =	shalt  }
0x62: {  	_ =	shalt  }
0x63: {  	_ =	shalt  }
0x64: {  	_ =	shalt  }
0x65: {  	_ =	shalt  }
0x66: {  	_ =	shalt  }
0x67: {  	_ =	shalt  }
0x68: {  	_ =	shalt  }
0x69: {  	_ =	shalt  }
0x6a: {  	_ =	shalt  }
0x6b: {  	_ =	shalt  }
0x6c: {  	_ =	shalt  }
0x6d: {  	_ =	shalt  }
0x6e: {  	_ =	shalt  }
0x6f: {  	_ =	shalt  }
0x70: {  	_ =	shalt  }
0x71: {  	_ =	shalt  }
0x72: {  	_ =	shalt  }
0x73: {  	_ =	shalt  }
0x74: {  	_ =	shalt  }
0x75: {  	_ =	shalt  }
0x76: {  	_ =	shalt  }
0x77: {  	_ =	shalt  }
0x78: {  	_ =	shalt  }
0x79: {  	_ =	shalt  }
0x7a: {  	_ =	shalt  }
0x7b: {  	_ =	shalt  }
0x7c: {  	_ =	shalt  }
0x7d: {  	_ =	shalt  }
0x7e: {  	_ =	shalt  }
0x7f: {  	_ =	shalt  }
0x80: {  	_ =	shalt  }
0x81: {  	_ =	shalt  }
0x82: {  	_ =	shalt  }
0x83: {  	_ =	shalt  }
0x84: {  	_ =	shalt  }
0x85: {  	_ =	shalt  }
0x86: {  	_ =	shalt  }
0x87: {  	_ =	shalt  }
.Lfunc_end0:
.L_simem_size_0:
called_computation_lowered:
.L_overlay_start_0:
0x88: {  	s2 =	sld [smem:$0x3FD9]  }
0x89: {  	s3 =	sld [smem:$0x3FFE];
	_ =	sdelay $0x1  }
0x8a: {  	s1 =	srdreg.scid  }
0x8b: {  	s0 =	sand.u32 $0x1, s1  }
0x8c: {  	s17 =	sshll.u32 s0, $0xA;
	s2 =	sadd.s32 s3, s2  }
0x8d: {  	s2 =	sadd.s32 s2, s17  }
0x8e: {  	[smem:$0x3FC4] =	sst s2  }
0x8f: {  	_ = 	snop  }
0x90: {  	s2 =	sld [smem:$0x3FC9]  }
0x91: {  	s18 =	sld [smem:$0x3FD0];
	(tm) =	ssettm $0x1  }
0x92: {  	s4 =	sld [smem:$0x3FFB];
	_ =	sdelay $0x3  }
0x93: {  	_ =	strace s4  }
0x94: {  	s4 =	sld [smem:$0x3FFC];
	_ =	sdelay $0x3  }
0x95: {  	_ =	strace s4  }
0x96: {  	s4 =	sld [smem:$0x3FFD];
	_ =	sdelay $0x3  }
0x97: {  	_ =	strace s4  }
0x98: {  	_ =	strace $0x8FFFFFFF  }
0x99: {  	s19 =	sld [smem:$0x3FDB];
	_ =	sdelay $0x1  }
0x9a: {  	s5 =	simm.s32 $_scs_section_size  }
0x9b: {  	s6 =	simm.s32 $_size__tile_overlayer_lowered;
	s7 =	simm.s32 $_tile_overlayer_lowered  }
0x9c: {  	s22 =	simm.s32 $0x1BFF;
	s21 =	sshll.u32 s7, $0x1;
	s4 =	sadd.s32 s5, s19  }
0x9d: {  	s8 =	simm.s32 $0x0;
	s20 =	sshll.u32 s6, $0x1;
	s6 =	sadd.s32 s21, s4  }
0x9e: {  	[timem:s8], [sflag:s22] =	dma.local [hbm:s6], s20  }
0x9f: {  	_ =	swait.ge [sflag:s22], s20  }
0xa0: {  	s5 =	ssub.s32 $0x0, s20;
	[sflag:s22] =	ssyncset.done $0x0  }
0xa1: {  	[sflag:s22] =	ssyncadd.s32 s5;
	_ =	sdelay $0x1  }
0xa2: {  	s23 =	simm.s32 $0x1B8B  }
0xa3: {  	_ =	swait.ge [sflag:s23], $0x1  }
0xa4: {  	[sflag:s23] =	ssyncset.done $0x0  }
0xa5: {  	s25 =	simm.s32 $0x1B8E;
	s24 =	sld [smem:$0x3FFE];
	[sflag:s23] =	ssyncadd.s32 $0xFFFFFFFF  }
0xa6: {  	s26 =	simm.s32 $execute0_lowered;
	[smem:$0x3FD2] =	sst s25  }
0xa7: {  	s6 =	sshll.u32 s26, $0x1;
	_ =	strace $0x80000046;
	[dreg:$0x1] =	wrdreg $0xFFFFFFFF  }
0xa8: {  	s28 =	simm.s32 $_size_execute0_lowered;
	s4 =	sadd.s32 s4, s6;
	[dreg:$0x0] =	wrdreg $0x0  }
0xa9: {  	s6 =	sshll.u32 s28, $0x1;
	[dreg:$0x2] =	wrdreg s4  }
0xaa: {  	[dreg:$0x3] =	wrdreg s6  }
0xab: {  	[dreg:$0x4] =	wrdreg $0xC0  }
0xac: {  	_ =	task [dreg:s8], $0x5FFFF  }
0xad: {  	[dreg:$0x1] =	wrdreg $0xFFFFFFFF  }
0xae: {  	[dreg:$0x0] =	wrdreg $0x60  }
0xaf: {  	[dreg:$0x2] =	wrdreg s2  }
0xb0: {  	[dreg:$0x3] =	wrdreg s24  }
0xb1: {  	[dreg:$0x4] =	wrdreg s18  }
0xb2: {  	[dreg:$0x5] =	wrdreg $0x9  }
0xb3: {  	_ =	task.clear_ibuf [dreg:s8], $0x6FFFF;
	_ =	strace $0x90000046  }
0xb4: {  	s29 =	simm.s32 $0x9;
	_ =	strace $0x80000048  }
0xb5: {  	_ =	swait.ge [sflag:s29], $0x1  }
0xb6: {  	[sflag:s29] =	ssyncadd.s32 $0xFFFFFFFF  }
0xb7: {  	_ =	strace $0x90000048  }
0xb8: {  	_ =	sfence  }
0xb9: {  	s30 =	sld [smem:$0x0];
	_ =	sdelay $0x2  }
0xba: {  	s31 =	sshll.u32 s1, $0xD;
	s1 =	sshrl.u32 s1, $0x2  }
0xbb: {  	s3 =	sand.u32 $0x4000, s31;
	s1 =	sadd.s32 s1, s30  }
0xbc: {  	s0 =	sor.u32 s3, s0;
	s1 =	sshll.u32 s1, $0x11  }
0xbd: {  	s0 =	sor.u32 s1, s0  }
0xbe: {  	s0 =	sadd.s32 $0x8F2B, s0  }
0xbf: {  	[sflag:s0] =	ssyncadd.remote.s32 $0x1  }
0xc0: {  	_ =	sfence.sel $0xFFFF  }
0xc1: {  	[dreg:$0x0] =	wrdreg $0xFFFFFFFF;
	(pc) =	sbr.abs _section_cstart, $3  }
0xc2: {  	[dreg:$0x1] =	wrdreg $0xFFFFFFFF  }
0xc3: {  	_ =	task.clear_ibuf [dreg:s8], $0x2FFFF;
	_ =	strace $0x9FFFFFFF  }
0xc4: {  	(tm) =	ssettm $0x7FFFFFFF  }
0xc5: {  	_ =	shalt  }
tec
execute0_lowered:
.L_overlay_start_1:
0x0: {  	(tag) =	ssettag $0x1  }
0x1: {  	s1 =	rddreg [dreg:$0x0]  }
0x2: {  	s0 =	rddreg [dreg:$0x1]  }
0x3: {  	s9 =	rddreg [dreg:$0x2];
	s4 =	simm.s32 $0x0;
	s2 =	srdreg.scid  }
0x4: {  	s8 =	stileid.u32;
	s13 =	simm.s32 $0x5;
	s14 =	simm.s32 $0x100  }
0x5: {  	s15 =	simm.s32 $0x900;
	s16 =	simm.s32 $0x1100;
	s17 =	simm.s32 $0x1900  }
0x6: {  	s18 =	simm.s32 $0x2100;
	s28 =	simm.s32 $0x6900;
	s29 =	simm.s32 $0x7100  }
0x7: {  	s30 =	simm.s32 $0x7900;
	s10 =	simm.s32 $0xF900;
	s11 =	simm.s32 $0x1  }
0x8: {  	s12 =	simm.s32 $0x3;
	[smem:$0x7FF] =	sst s4;
	s2 =	sand.u32 $0x1, s2  }
0x9: {  	s3 =	sshll.u32 s8, $0x1;
	s6 =	sadd.s32 $0x800, s0;
	s19 =	sadd.s32 $0x600, s0  }
0xa: {  	s0 =	sadd.s32 $0x400, s0;
	s23 =	sshll.u32 s8, $0x5;
	s24 =	sshll.u32 s8, $0xD  }
0xb: {  	p0 =	sgt.u32 s8, $0x8;
	_ =	strace $0x80000047;
	[dreg:$0x4] =	wrdreg s19  }
0xc: {  	s5 =	sor.u32 s2, s3;
	s20 =	ssub.s32 $0x2, s2;
	[dreg:$0x5] =	wrdreg s0  }
0xd: {  	s3 =	sadd.s32 s23, s6;
	s25 =	sshll.u32 s2, $0x4;
	s2 =	sshll.u32 s2, $0xC  }
0xe: {  	s19 =	simm.s32 $0x2900;
	s23 =	simm.s32 $0x4900;
	s7 =	sshll.u32 s5, $0x4  }
0xf: {  	s21 =	sshrl.u32 s20, $0x1;
	s3 =	sadd.s32 s25, s3;
	s25 =	simm.s32 $0x5900  }
0x10: {  	p1 =	sne.s32 s5, $0x1F;
	s7 =	sadd.s32 s6, s7;
	s0 =	ssub.s32 s20, s21  }
0x11: {  	s31 =	sadd.s32 $0x600, s3;
	s20 =	simm.s32 $0x3100;
	[dreg:$0x6] =	wrdreg s7  }
.Ltmp0:
0x12: {  	s22 =	sadd.s32 $0x200, s7;
	[dreg:$0xa] =	wrdreg s31;
	(pc) =	sbr.rel .LBB2_1-.Ltmp0, $4  }
0x13: {  	s21 =	simm.s32 $0x3900;
	s0 =	smax.u32 s0, $0x1;
	[dreg:$0x7] =	wrdreg s22  }
0x14: {  	v2 =	vlaneseq.u32;
	s7 =	sadd.s32 s24, s9;
	s24 =	simm.s32 $0x5100;
	[dreg:$0x8] =	wrdreg s0  }
0x15: {  	vm0 =	vmmov $0xffff;
	v1 =	vshrl.u32 v2, $0x3;
	s26 =	sadd.s32 s2, s7;
	s22 =	simm.s32 $0x4100;
	s0 =	simm.s32 $0x6  }
0x16: {  	v0 =	vand.u32 $0x7, v2;
	v2 =	vor.u32 $0x8, v2;
	v1 =	vmul.u32 $0x8, v1;
	s7 =	simm.s32 $0x0;
	[dreg:$0x9] =	wrdreg s26;
	s26 =	simm.s32 $0x6100  }
.LBB2_10:
0x17: {  	s7 =	sadd.s32 $0x1, s7;
	s2 =	rddreg [dreg:$0x8]  }
0x18: {  	p2 =	sne.s32 s7, s2  }
.Ltmp1:
0x19: {  	_ = 	snop;
	(pc) =	sbr.rel @!p2 .LBB2_11-.Ltmp1, $1  }
0x1a: {  	_ =	sdelay $0x3  }
.LBB2_1:
0x1b: {  	[dreg:$0xb] =	wrdreg s7  }
0x1c: {  	s2 =	rddreg [dreg:$0x6]  }
0x1d: {  	[tilespmem:s4], [sflag:$0x5] =	stream.linear.gather [hbm4b:s2+s4], $0x80, $0x38;
	[tilespmem:$0x10180] =	vst v63  }
0x1e: {  	_ =	swait.ge [sflag:s13], $0x80  }
0x1f: {  	[sflag:s13] =	ssyncset.done $0x0  }
0x20: {  	[sflag:s13] =	ssyncadd.s32 $0xFFFFFF80  }
0x21: {  	v3 =	vld [tilespmem:$0x0];
	_ =	sdelay $0x4  }
0x22: {  	v4 =	vshll.u32 v3, $0x1  }
0x23: {  	v3 =	vand.u32 $0x7, v3;
	v4 =	vand.u32 $0xFFFFFFF0, v4  }
0x24: {  	v3 =	vor.u32 v3, v4  }
0x25: {  	v4 =	vperm.xlane v3, v0;
	_ =	sdelay $0x1  }
0x26: {  	v3 =	vperm.xlane v3, v2;
	v4 =	vadd.s32 v1, v4;
	_ =	sdelay $0x1  }
0x27: {  	v3 =	vadd.s32 v1, v3;
	_ =	sdelay $0x2  }
0x28: {  	[tilespmem:s14], [sflag:$0x1] =	stream.indirect_vreg.gather [hbm4b:s1+s4], $0x80, v4, vm0, $0xb8;
	[tilespmem:$0x10180] =	vst v63  }
0x29: {  	_ = 	snop  }
0x2a: {  	[tilespmem:s15], [sflag:$0x1] =	stream.indirect_vreg.gather [hbm4b:s1+s4], $0x80, v3, vm0, $0xb8;
	[tilespmem:$0x10180] =	vst v63  }
0x2b: {  	v3 =	vld [tilespmem:$0x10];
	_ =	sdelay $0x4  }
0x2c: {  	v57 =	vshll.u32 v3, $0x1  }
0x2d: {  	v3 =	vand.u32 $0x7, v3;
	v4 =	vand.u32 $0xFFFFFFF0, v57  }
0x2e: {  	v3 =	vor.u32 v3, v4  }
0x2f: {  	v4 =	vperm.xlane v3, v0;
	_ =	sdelay $0x1  }
0x30: {  	v3 =	vperm.xlane v3, v2;
	v4 =	vadd.s32 v1, v4;
	_ =	sdelay $0x1  }
0x31: {  	v3 =	vadd.s32 v1, v3;
	_ =	sdelay $0x2  }
0x32: {  	[tilespmem:s16], [sflag:$0x1] =	stream.indirect_vreg.gather [hbm4b:s1+s4], $0x80, v4, vm0, $0xb8;
	[tilespmem:$0x10180] =	vst v63  }
0x33: {  	_ = 	snop  }
0x34: {  	[tilespmem:s17], [sflag:$0x1] =	stream.indirect_vreg.gather [hbm4b:s1+s4], $0x80, v3, vm0, $0xb8;
	[tilespmem:$0x10180] =	vst v63  }
0x35: {  	v3 =	vld [tilespmem:$0x20];
	_ =	sdelay $0x4  }
0x36: {  	v58 =	vshll.u32 v3, $0x1  }
0x37: {  	v3 =	vand.u32 $0x7, v3;
	v4 =	vand.u32 $0xFFFFFFF0, v58  }
0x38: {  	v3 =	vor.u32 v3, v4  }
0x39: {  	v4 =	vperm.xlane v3, v0;
	_ =	sdelay $0x1  }
0x3a: {  	v3 =	vperm.xlane v3, v2;
	v4 =	vadd.s32 v1, v4;
	_ =	sdelay $0x1  }
0x3b: {  	v3 =	vadd.s32 v1, v3;
	_ =	sdelay $0x2  }
0x3c: {  	[tilespmem:s18], [sflag:$0x1] =	stream.indirect_vreg.gather [hbm4b:s1+s4], $0x80, v4, vm0, $0xb8;
	[tilespmem:$0x10180] =	vst v63  }
0x3d: {  	_ = 	snop  }
0x3e: {  	[tilespmem:s19], [sflag:$0x1] =	stream.indirect_vreg.gather [hbm4b:s1+s4], $0x80, v3, vm0, $0xb8;
	[tilespmem:$0x10180] =	vst v63  }
0x3f: {  	v3 =	vld [tilespmem:$0x30];
	_ =	sdelay $0x4  }
0x40: {  	v59 =	vshll.u32 v3, $0x1  }
0x41: {  	v3 =	vand.u32 $0x7, v3;
	v4 =	vand.u32 $0xFFFFFFF0, v59  }
0x42: {  	v3 =	vor.u32 v3, v4  }
0x43: {  	v4 =	vperm.xlane v3, v0;
	_ =	sdelay $0x1  }
0x44: {  	v3 =	vperm.xlane v3, v2;
	v4 =	vadd.s32 v1, v4;
	_ =	sdelay $0x1  }
0x45: {  	v3 =	vadd.s32 v1, v3;
	_ =	sdelay $0x2  }
0x46: {  	[tilespmem:s20], [sflag:$0x1] =	stream.indirect_vreg.gather [hbm4b:s1+s4], $0x80, v4, vm0, $0xb8;
	[tilespmem:$0x10180] =	vst v63  }
0x47: {  	_ = 	snop  }
0x48: {  	[tilespmem:s21], [sflag:$0x1] =	stream.indirect_vreg.gather [hbm4b:s1+s4], $0x80, v3, vm0, $0xb8;
	[tilespmem:$0x10180] =	vst v63  }
0x49: {  	v3 =	vld [tilespmem:$0x40];
	_ =	sdelay $0x4  }
0x4a: {  	v60 =	vshll.u32 v3, $0x1  }
0x4b: {  	v3 =	vand.u32 $0x7, v3;
	v4 =	vand.u32 $0xFFFFFFF0, v60  }
0x4c: {  	v3 =	vor.u32 v3, v4  }
0x4d: {  	v4 =	vperm.xlane v3, v0;
	_ =	sdelay $0x1  }
0x4e: {  	v3 =	vperm.xlane v3, v2;
	v4 =	vadd.s32 v1, v4;
	_ =	sdelay $0x1  }
0x4f: {  	v3 =	vadd.s32 v1, v3;
	_ =	sdelay $0x2  }
0x50: {  	[tilespmem:s22], [sflag:$0x1] =	stream.indirect_vreg.gather [hbm4b:s1+s4], $0x80, v4, vm0, $0xb8;
	[tilespmem:$0x10180] =	vst v63  }
0x51: {  	_ = 	snop  }
0x52: {  	[tilespmem:s23], [sflag:$0x1] =	stream.indirect_vreg.gather [hbm4b:s1+s4], $0x80, v3, vm0, $0xb8;
	[tilespmem:$0x10180] =	vst v63  }
0x53: {  	v3 =	vld [tilespmem:$0x50];
	_ =	sdelay $0x4  }
0x54: {  	v61 =	vshll.u32 v3, $0x1  }
0x55: {  	v3 =	vand.u32 $0x7, v3;
	v4 =	vand.u32 $0xFFFFFFF0, v61  }
0x56: {  	v3 =	vor.u32 v3, v4  }
0x57: {  	v4 =	vperm.xlane v3, v0;
	_ =	sdelay $0x1  }
0x58: {  	v3 =	vperm.xlane v3, v2;
	v4 =	vadd.s32 v1, v4;
	_ =	sdelay $0x1  }
0x59: {  	v3 =	vadd.s32 v1, v3;
	_ =	sdelay $0x2  }
0x5a: {  	[tilespmem:s24], [sflag:$0x1] =	stream.indirect_vreg.gather [hbm4b:s1+s4], $0x80, v4, vm0, $0xb8;
	[tilespmem:$0x10180] =	vst v63  }
0x5b: {  	_ = 	snop  }
0x5c: {  	[tilespmem:s25], [sflag:$0x1] =	stream.indirect_vreg.gather [hbm4b:s1+s4], $0x80, v3, vm0, $0xb8;
	[tilespmem:$0x10180] =	vst v63  }
0x5d: {  	v3 =	vld [tilespmem:$0x60];
	_ =	sdelay $0x4  }
0x5e: {  	v62 =	vshll.u32 v3, $0x1  }
0x5f: {  	v3 =	vand.u32 $0x7, v3;
	v4 =	vand.u32 $0xFFFFFFF0, v62  }
0x60: {  	v3 =	vor.u32 v3, v4  }
0x61: {  	v4 =	vperm.xlane v3, v0;
	_ =	sdelay $0x1  }
0x62: {  	v3 =	vperm.xlane v3, v2;
	v4 =	vadd.s32 v1, v4;
	_ =	sdelay $0x1  }
0x63: {  	v3 =	vadd.s32 v1, v3;
	_ =	sdelay $0x2  }
0x64: {  	[tilespmem:s26], [sflag:$0x1] =	stream.indirect_vreg.gather [hbm4b:s1+s4], $0x80, v4, vm0, $0xb8;
	[tilespmem:$0x10180] =	vst v63  }
0x65: {  	_ = 	snop  }
0x66: {  	[tilespmem:s28], [sflag:$0x1] =	stream.indirect_vreg.gather [hbm4b:s1+s4], $0x80, v3, vm0, $0xb8;
	[tilespmem:$0x10180] =	vst v63  }
0x67: {  	v3 =	vld [tilespmem:$0x70];
	_ =	sdelay $0x4  }
0x68: {  	v63 =	vshll.u32 v3, $0x1  }
0x69: {  	v3 =	vand.u32 $0x7, v3;
	v4 =	vand.u32 $0xFFFFFFF0, v63  }
0x6a: {  	v3 =	vor.u32 v3, v4  }
0x6b: {  	v4 =	vperm.xlane v3, v0;
	_ =	sdelay $0x1  }
0x6c: {  	v3 =	vperm.xlane v3, v2;
	v4 =	vadd.s32 v1, v4;
	_ =	sdelay $0x1  }
0x6d: {  	v3 =	vadd.s32 v1, v3;
	_ =	sdelay $0x2  }
0x6e: {  	[tilespmem:s29], [sflag:$0x1] =	stream.indirect_vreg.gather [hbm4b:s1+s4], $0x80, v4, vm0, $0xb8;
	[tilespmem:$0x10180] =	vst v63  }
.Ltmp2:
0x6f: {  	s31 =	rddreg [dreg:$0x7];
	(pc) =	sbr.rel .LBB2_2-.Ltmp2, $4  }
0x70: {  	[tilespmem:s30], [sflag:$0x1] =	stream.indirect_vreg.gather [hbm4b:s1+s4], $0x80, v3, vm0, $0xb8;
	[tilespmem:$0x10180] =	vst v63  }
0x71: {  	s3 =	simm.s32 $0x80;
	s8 =	rddreg [dreg:$0xa]  }
0x72: {  	[tilespmem:s3], [sflag:$0x6] =	stream.linear.gather [hbm4b:s31+s4], $0x80, $0x38;
	[tilespmem:$0x10180] =	vst v63  }
0x73: {  	s2 =	simm.s32 $0x0;
	s3 =	rddreg [dreg:$0x9]  }
.LBB2_6:
0x74: {  	s7 =	sadd.s32 $0xFFFFFE00, s8  }
0x75: {  	[tilespmem:s4], [sflag:$0x5] =	stream.linear.gather [hbm4b:s7+s4], $0x80, $0x38;
	[tilespmem:$0x10180] =	vst v63  }
0x76: {  	_ =	swait.ge [sflag:s12], $0x8000  }
0x77: {  	[sflag:s12] =	ssyncset.done $0x0  }
0x78: {  	[sflag:s12] =	ssyncadd.s32 $0xFFFF8000  }
0x79: {  	_ =	swait.ge [sflag:s13], $0x80  }
0x7a: {  	[sflag:s13] =	ssyncset.done $0x0  }
0x7b: {  	[sflag:s13] =	ssyncadd.s32 $0xFFFFFF80  }
0x7c: {  	v3 =	vld [tilespmem:$0x0];
	_ =	sdelay $0x4  }
0x7d: {  	v4 =	vshll.u32 v3, $0x1  }
0x7e: {  	v3 =	vand.u32 $0x7, v3;
	v4 =	vand.u32 $0xFFFFFFF0, v4  }
0x7f: {  	v3 =	vor.u32 v3, v4  }
0x80: {  	v4 =	vperm.xlane v3, v0;
	_ =	sdelay $0x1  }
0x81: {  	v3 =	vperm.xlane v3, v2;
	v4 =	vadd.s32 v1, v4;
	_ =	sdelay $0x1  }
0x82: {  	v3 =	vadd.s32 v1, v3;
	_ =	sdelay $0x2  }
0x83: {  	[tilespmem:s14], [sflag:$0x1] =	stream.indirect_vreg.gather [hbm4b:s1+s4], $0x80, v4, vm0, $0xb8;
	[tilespmem:$0x10180] =	vst v63  }
0x84: {  	_ = 	snop  }
0x85: {  	[tilespmem:s15], [sflag:$0x1] =	stream.indirect_vreg.gather [hbm4b:s1+s4], $0x80, v3, vm0, $0xb8;
	[tilespmem:$0x10180] =	vst v63  }
0x86: {  	v3 =	vld [tilespmem:$0x10];
	_ =	sdelay $0x4  }
0x87: {  	v57 =	vshll.u32 v3, $0x1  }
0x88: {  	v3 =	vand.u32 $0x7, v3;
	v4 =	vand.u32 $0xFFFFFFF0, v57  }
0x89: {  	v3 =	vor.u32 v3, v4  }
0x8a: {  	v4 =	vperm.xlane v3, v0;
	_ =	sdelay $0x1  }
0x8b: {  	v3 =	vperm.xlane v3, v2;
	v4 =	vadd.s32 v1, v4;
	_ =	sdelay $0x1  }
0x8c: {  	v3 =	vadd.s32 v1, v3;
	_ =	sdelay $0x2  }
0x8d: {  	[tilespmem:s16], [sflag:$0x1] =	stream.indirect_vreg.gather [hbm4b:s1+s4], $0x80, v4, vm0, $0xb8;
	[tilespmem:$0x10180] =	vst v63  }
0x8e: {  	_ = 	snop  }
0x8f: {  	[tilespmem:s17], [sflag:$0x1] =	stream.indirect_vreg.gather [hbm4b:s1+s4], $0x80, v3, vm0, $0xb8;
	[tilespmem:$0x10180] =	vst v63  }
0x90: {  	v3 =	vld [tilespmem:$0x20];
	_ =	sdelay $0x4  }
0x91: {  	v58 =	vshll.u32 v3, $0x1  }
0x92: {  	v3 =	vand.u32 $0x7, v3;
	v4 =	vand.u32 $0xFFFFFFF0, v58  }
0x93: {  	v3 =	vor.u32 v3, v4  }
0x94: {  	v4 =	vperm.xlane v3, v0;
	_ =	sdelay $0x1  }
0x95: {  	v3 =	vperm.xlane v3, v2;
	v4 =	vadd.s32 v1, v4;
	_ =	sdelay $0x1  }
0x96: {  	v3 =	vadd.s32 v1, v3;
	_ =	sdelay $0x2  }
0x97: {  	[tilespmem:s18], [sflag:$0x1] =	stream.indirect_vreg.gather [hbm4b:s1+s4], $0x80, v4, vm0, $0xb8;
	[tilespmem:$0x10180] =	vst v63  }
0x98: {  	_ = 	snop  }
0x99: {  	[tilespmem:s19], [sflag:$0x1] =	stream.indirect_vreg.gather [hbm4b:s1+s4], $0x80, v3, vm0, $0xb8;
	[tilespmem:$0x10180] =	vst v63  }
0x9a: {  	v3 =	vld [tilespmem:$0x30];
	_ =	sdelay $0x4  }
0x9b: {  	v59 =	vshll.u32 v3, $0x1  }
0x9c: {  	v3 =	vand.u32 $0x7, v3;
	v4 =	vand.u32 $0xFFFFFFF0, v59  }
0x9d: {  	v3 =	vor.u32 v3, v4  }
0x9e: {  	v4 =	vperm.xlane v3, v0;
	_ =	sdelay $0x1  }
0x9f: {  	v3 =	vperm.xlane v3, v2;
	v4 =	vadd.s32 v1, v4;
	_ =	sdelay $0x1  }
0xa0: {  	v3 =	vadd.s32 v1, v3;
	_ =	sdelay $0x2  }
0xa1: {  	[tilespmem:s20], [sflag:$0x1] =	stream.indirect_vreg.gather [hbm4b:s1+s4], $0x80, v4, vm0, $0xb8;
	[tilespmem:$0x10180] =	vst v63  }
0xa2: {  	_ = 	snop  }
0xa3: {  	[tilespmem:s21], [sflag:$0x1] =	stream.indirect_vreg.gather [hbm4b:s1+s4], $0x80, v3, vm0, $0xb8;
	[tilespmem:$0x10180] =	vst v63  }
0xa4: {  	v3 =	vld [tilespmem:$0x40];
	_ =	sdelay $0x4  }
0xa5: {  	v60 =	vshll.u32 v3, $0x1  }
0xa6: {  	v3 =	vand.u32 $0x7, v3;
	v4 =	vand.u32 $0xFFFFFFF0, v60  }
0xa7: {  	v3 =	vor.u32 v3, v4  }
0xa8: {  	v4 =	vperm.xlane v3, v0;
	_ =	sdelay $0x1  }
0xa9: {  	v3 =	vperm.xlane v3, v2;
	v4 =	vadd.s32 v1, v4;
	_ =	sdelay $0x1  }
0xaa: {  	v3 =	vadd.s32 v1, v3;
	_ =	sdelay $0x2  }
0xab: {  	[tilespmem:s22], [sflag:$0x1] =	stream.indirect_vreg.gather [hbm4b:s1+s4], $0x80, v4, vm0, $0xb8;
	[tilespmem:$0x10180] =	vst v63  }
0xac: {  	_ = 	snop  }
0xad: {  	[tilespmem:s23], [sflag:$0x1] =	stream.indirect_vreg.gather [hbm4b:s1+s4], $0x80, v3, vm0, $0xb8;
	[tilespmem:$0x10180] =	vst v63  }
0xae: {  	v3 =	vld [tilespmem:$0x50];
	_ =	sdelay $0x4  }
0xaf: {  	v61 =	vshll.u32 v3, $0x1  }
0xb0: {  	v3 =	vand.u32 $0x7, v3;
	v4 =	vand.u32 $0xFFFFFFF0, v61  }
0xb1: {  	v3 =	vor.u32 v3, v4  }
0xb2: {  	v4 =	vperm.xlane v3, v0;
	_ =	sdelay $0x1  }
0xb3: {  	v3 =	vperm.xlane v3, v2;
	v4 =	vadd.s32 v1, v4;
	_ =	sdelay $0x1  }
0xb4: {  	v3 =	vadd.s32 v1, v3;
	_ =	sdelay $0x2  }
0xb5: {  	[tilespmem:s24], [sflag:$0x1] =	stream.indirect_vreg.gather [hbm4b:s1+s4], $0x80, v4, vm0, $0xb8;
	[tilespmem:$0x10180] =	vst v63  }
0xb6: {  	_ = 	snop  }
0xb7: {  	[tilespmem:s25], [sflag:$0x1] =	stream.indirect_vreg.gather [hbm4b:s1+s4], $0x80, v3, vm0, $0xb8;
	[tilespmem:$0x10180] =	vst v63  }
0xb8: {  	v3 =	vld [tilespmem:$0x60];
	_ =	sdelay $0x4  }
0xb9: {  	v62 =	vshll.u32 v3, $0x1  }
0xba: {  	v3 =	vand.u32 $0x7, v3;
	v4 =	vand.u32 $0xFFFFFFF0, v62  }
0xbb: {  	v3 =	vor.u32 v3, v4  }
0xbc: {  	v4 =	vperm.xlane v3, v0;
	_ =	sdelay $0x1  }
0xbd: {  	v3 =	vperm.xlane v3, v2;
	v4 =	vadd.s32 v1, v4;
	_ =	sdelay $0x1  }
0xbe: {  	v3 =	vadd.s32 v1, v3;
	_ =	sdelay $0x2  }
0xbf: {  	[tilespmem:s26], [sflag:$0x1] =	stream.indirect_vreg.gather [hbm4b:s1+s4], $0x80, v4, vm0, $0xb8;
	[tilespmem:$0x10180] =	vst v63  }
0xc0: {  	_ = 	snop  }
0xc1: {  	[tilespmem:s28], [sflag:$0x1] =	stream.indirect_vreg.gather [hbm4b:s1+s4], $0x80, v3, vm0, $0xb8;
	[tilespmem:$0x10180] =	vst v63  }
0xc2: {  	v3 =	vld [tilespmem:$0x70];
	_ =	sdelay $0x4  }
0xc3: {  	v63 =	vshll.u32 v3, $0x1  }
0xc4: {  	v3 =	vand.u32 $0x7, v3;
	v4 =	vand.u32 $0xFFFFFFF0, v63  }
0xc5: {  	v3 =	vor.u32 v3, v4  }
0xc6: {  	v4 =	vperm.xlane v3, v0;
	_ =	sdelay $0x1  }
0xc7: {  	v3 =	vperm.xlane v3, v2;
	v4 =	vadd.s32 v1, v4;
	_ =	sdelay $0x1  }
0xc8: {  	v3 =	vadd.s32 v1, v3;
	_ =	sdelay $0x2  }
0xc9: {  	[tilespmem:s29], [sflag:$0x1] =	stream.indirect_vreg.gather [hbm4b:s1+s4], $0x80, v4, vm0, $0xb8;
	[tilespmem:$0x10180] =	vst v63  }
0xca: {  	_ = 	snop  }
0xcb: {  	[tilespmem:s30], [sflag:$0x1] =	stream.indirect_vreg.gather [hbm4b:s1+s4], $0x80, v3, vm0, $0xb8;
	[tilespmem:$0x10180] =	vst v63  }
.LBB2_7:
0xcc: {  	s7 =	simm.s32 @!p2 $0x2  }
0xcd: {  	_ =	swait.ge @!p2 [sflag:s7], $0x8000  }
0xce: {  	s31 =	simm.s32 @!p2 $0x0;
	s9 =	simm.s32 @!p2 $0x8100;
	[sflag:s7] =	ssyncset.done @!p2 $0x0  }
0xcf: {  	s6 =	sadd.s32 $0x60, s6;
	[sflag:s7] =	ssyncadd.s32 @!p2 $0xFFFF8000;
	s7 =	sadd.s32 @!p2 $0x20000, s3  }
0xd0: {  	[hbm4b:s7+s31] =	stream.linear.scatter @!p2 [tilespmem:s9], [sflag:$0x4], $0x8000, $0x38;
	[tilespmem:$0x10180] =	vst v63  }
0xd1: {  	p2 =	sgt.u32 s6, $0x431  }
0xd2: {  	s2 =	sadd.s32 $0x40, s2;
	s6 =	simm.s32 @!p2 $0x0;
	s7 =	simm.s32 @!p2 $0x80  }
0xd3: {  	[tilespmem:s7], [sflag:$0x6] =	stream.linear.gather @!p2 [hbm4b:s8+s6], $0x80, $0x38;
	[tilespmem:$0x10180] =	vst v63  }
0xd4: {  	p2 =	sne.s32 s2, $0x440  }
.Ltmp3:
0xd5: {  	_ = 	snop;
	(pc) =	sbr.rel @!p2 .LBB2_8-.Ltmp3, $2  }
0xd6: {  	_ =	sdelay $0x2  }
0xd7: {  	s3 =	sadd.s32 $0x40000, s3;
	s8 =	sadd.s32 $0x400, s8  }
.LBB2_2:
0xd8: {  	s6 =	sadd.s32 s2, s5  }
0xd9: {  	s31 =	sadd.s32 $0x20, s6  }
0xda: {  	p2 =	sgt.u32 s31, $0x431  }
.Ltmp4:
0xdb: {  	p3 =	seq.s32 s2, $0x0;
	(pc) =	sbr.rel @p2 .LBB2_4-.Ltmp4, $4  }
0xdc: {  	s7 =	simm.s32 @!p3 $0x4  }
0xdd: {  	_ =	swait.ge @!p3 [sflag:s7], $0x8000  }
0xde: {  	[sflag:s7] =	ssyncset.done @!p3 $0x0  }
0xdf: {  	[sflag:s7] =	ssyncadd.s32 @!p3 $0xFFFF8000  }
0xe0: {  	_ =	swait.ge [sflag:s0], $0x80  }
0xe1: {  	[sflag:s0] =	ssyncset.done $0x0  }
0xe2: {  	[sflag:s0] =	ssyncadd.s32 $0xFFFFFF80  }
0xe3: {  	v3 =	vld [tilespmem:$0x80];
	_ =	sdelay $0x4  }
0xe4: {  	v4 =	vshll.u32 v3, $0x1  }
0xe5: {  	v3 =	vand.u32 $0x7, v3;
	v4 =	vand.u32 $0xFFFFFFF0, v4  }
0xe6: {  	v3 =	vor.u32 v3, v4  }
0xe7: {  	v4 =	vperm.xlane v3, v0;
	_ =	sdelay $0x1  }
0xe8: {  	v3 =	vperm.xlane v3, v2;
	v4 =	vadd.s32 v1, v4;
	_ =	sdelay $0x1  }
0xe9: {  	v3 =	vadd.s32 v1, v3;
	_ =	sdelay $0x1  }
0xea: {  	s7 =	simm.s32 $0x8100  }
0xeb: {  	[tilespmem:s7], [sflag:$0x2] =	stream.indirect_vreg.gather [hbm4b:s1+s4], $0x80, v4, vm0, $0xb8;
	[tilespmem:$0x10180] =	vst v63  }
0xec: {  	s9 =	simm.s32 $0x8900  }
0xed: {  	[tilespmem:s9], [sflag:$0x2] =	stream.indirect_vreg.gather [hbm4b:s1+s4], $0x80, v3, vm0, $0xb8;
	[tilespmem:$0x10180] =	vst v63  }
0xee: {  	v3 =	vld [tilespmem:$0x90];
	_ =	sdelay $0x4  }
0xef: {  	v57 =	vshll.u32 v3, $0x1  }
0xf0: {  	v3 =	vand.u32 $0x7, v3;
	v4 =	vand.u32 $0xFFFFFFF0, v57  }
0xf1: {  	v3 =	vor.u32 v3, v4  }
0xf2: {  	v4 =	vperm.xlane v3, v0;
	_ =	sdelay $0x1  }
0xf3: {  	v3 =	vperm.xlane v3, v2;
	v4 =	vadd.s32 v1, v4;
	_ =	sdelay $0x1  }
0xf4: {  	v3 =	vadd.s32 v1, v3;
	_ =	sdelay $0x1  }
0xf5: {  	s31 =	simm.s32 $0x9100  }
0xf6: {  	[tilespmem:s31], [sflag:$0x2] =	stream.indirect_vreg.gather [hbm4b:s1+s4], $0x80, v4, vm0, $0xb8;
	[tilespmem:$0x10180] =	vst v63  }
0xf7: {  	s9 =	simm.s32 $0x9900  }
0xf8: {  	[tilespmem:s9], [sflag:$0x2] =	stream.indirect_vreg.gather [hbm4b:s1+s4], $0x80, v3, vm0, $0xb8;
	[tilespmem:$0x10180] =	vst v63  }
0xf9: {  	v3 =	vld [tilespmem:$0xA0];
	_ =	sdelay $0x4  }
0xfa: {  	v58 =	vshll.u32 v3, $0x1  }
0xfb: {  	v3 =	vand.u32 $0x7, v3;
	v4 =	vand.u32 $0xFFFFFFF0, v58  }
0xfc: {  	v3 =	vor.u32 v3, v4  }
0xfd: {  	v4 =	vperm.xlane v3, v0;
	_ =	sdelay $0x1  }
0xfe: {  	v3 =	vperm.xlane v3, v2;
	v4 =	vadd.s32 v1, v4;
	_ =	sdelay $0x1  }
0xff: {  	v3 =	vadd.s32 v1, v3;
	_ =	sdelay $0x1  }
0x100: {  	s31 =	simm.s32 $0xA100  }
0x101: {  	[tilespmem:s31], [sflag:$0x2] =	stream.indirect_vreg.gather [hbm4b:s1+s4], $0x80, v4, vm0, $0xb8;
	[tilespmem:$0x10180] =	vst v63  }
0x102: {  	s9 =	simm.s32 $0xA900  }
0x103: {  	[tilespmem:s9], [sflag:$0x2] =	stream.indirect_vreg.gather [hbm4b:s1+s4], $0x80, v3, vm0, $0xb8;
	[tilespmem:$0x10180] =	vst v63  }
0x104: {  	v3 =	vld [tilespmem:$0xB0];
	_ =	sdelay $0x4  }
0x105: {  	v59 =	vshll.u32 v3, $0x1  }
0x106: {  	v3 =	vand.u32 $0x7, v3;
	v4 =	vand.u32 $0xFFFFFFF0, v59  }
0x107: {  	v3 =	vor.u32 v3, v4  }
0x108: {  	v4 =	vperm.xlane v3, v0;
	_ =	sdelay $0x1  }
0x109: {  	v3 =	vperm.xlane v3, v2;
	v4 =	vadd.s32 v1, v4;
	_ =	sdelay $0x1  }
0x10a: {  	v3 =	vadd.s32 v1, v3;
	_ =	sdelay $0x1  }
0x10b: {  	s31 =	simm.s32 $0xB100  }
0x10c: {  	[tilespmem:s31], [sflag:$0x2] =	stream.indirect_vreg.gather [hbm4b:s1+s4], $0x80, v4, vm0, $0xb8;
	[tilespmem:$0x10180] =	vst v63  }
0x10d: {  	s9 =	simm.s32 $0xB900  }
0x10e: {  	[tilespmem:s9], [sflag:$0x2] =	stream.indirect_vreg.gather [hbm4b:s1+s4], $0x80, v3, vm0, $0xb8;
	[tilespmem:$0x10180] =	vst v63  }
0x10f: {  	v3 =	vld [tilespmem:$0xC0];
	_ =	sdelay $0x4  }
0x110: {  	v60 =	vshll.u32 v3, $0x1  }
0x111: {  	v3 =	vand.u32 $0x7, v3;
	v4 =	vand.u32 $0xFFFFFFF0, v60  }
0x112: {  	v3 =	vor.u32 v3, v4  }
0x113: {  	v4 =	vperm.xlane v3, v0;
	_ =	sdelay $0x1  }
0x114: {  	v3 =	vperm.xlane v3, v2;
	v4 =	vadd.s32 v1, v4;
	_ =	sdelay $0x1  }
0x115: {  	v3 =	vadd.s32 v1, v3;
	_ =	sdelay $0x1  }
0x116: {  	s31 =	simm.s32 $0xC100  }
0x117: {  	[tilespmem:s31], [sflag:$0x2] =	stream.indirect_vreg.gather [hbm4b:s1+s4], $0x80, v4, vm0, $0xb8;
	[tilespmem:$0x10180] =	vst v63  }
0x118: {  	s9 =	simm.s32 $0xC900  }
0x119: {  	[tilespmem:s9], [sflag:$0x2] =	stream.indirect_vreg.gather [hbm4b:s1+s4], $0x80, v3, vm0, $0xb8;
	[tilespmem:$0x10180] =	vst v63  }
0x11a: {  	v3 =	vld [tilespmem:$0xD0];
	_ =	sdelay $0x4  }
0x11b: {  	v61 =	vshll.u32 v3, $0x1  }
0x11c: {  	v3 =	vand.u32 $0x7, v3;
	v4 =	vand.u32 $0xFFFFFFF0, v61  }
0x11d: {  	v3 =	vor.u32 v3, v4  }
0x11e: {  	v4 =	vperm.xlane v3, v0;
	_ =	sdelay $0x1  }
0x11f: {  	v3 =	vperm.xlane v3, v2;
	v4 =	vadd.s32 v1, v4;
	_ =	sdelay $0x1  }
0x120: {  	v3 =	vadd.s32 v1, v3;
	_ =	sdelay $0x1  }
0x121: {  	s31 =	simm.s32 $0xD100  }
0x122: {  	[tilespmem:s31], [sflag:$0x2] =	stream.indirect_vreg.gather [hbm4b:s1+s4], $0x80, v4, vm0, $0xb8;
	[tilespmem:$0x10180] =	vst v63  }
0x123: {  	s9 =	simm.s32 $0xD900  }
0x124: {  	[tilespmem:s9], [sflag:$0x2] =	stream.indirect_vreg.gather [hbm4b:s1+s4], $0x80, v3, vm0, $0xb8;
	[tilespmem:$0x10180] =	vst v63  }
0x125: {  	v3 =	vld [tilespmem:$0xE0];
	_ =	sdelay $0x4  }
0x126: {  	v62 =	vshll.u32 v3, $0x1  }
0x127: {  	v3 =	vand.u32 $0x7, v3;
	v4 =	vand.u32 $0xFFFFFFF0, v62  }
0x128: {  	v3 =	vor.u32 v3, v4  }
0x129: {  	v4 =	vperm.xlane v3, v0;
	_ =	sdelay $0x1  }
0x12a: {  	v3 =	vperm.xlane v3, v2;
	v4 =	vadd.s32 v1, v4;
	_ =	sdelay $0x1  }
0x12b: {  	v3 =	vadd.s32 v1, v3;
	_ =	sdelay $0x1  }
0x12c: {  	s31 =	simm.s32 $0xE100  }
0x12d: {  	[tilespmem:s31], [sflag:$0x2] =	stream.indirect_vreg.gather [hbm4b:s1+s4], $0x80, v4, vm0, $0xb8;
	[tilespmem:$0x10180] =	vst v63  }
0x12e: {  	s9 =	simm.s32 $0xE900  }
0x12f: {  	[tilespmem:s9], [sflag:$0x2] =	stream.indirect_vreg.gather [hbm4b:s1+s4], $0x80, v3, vm0, $0xb8;
	[tilespmem:$0x10180] =	vst v63  }
0x130: {  	v3 =	vld [tilespmem:$0xF0];
	_ =	sdelay $0x4  }
0x131: {  	v63 =	vshll.u32 v3, $0x1  }
0x132: {  	v3 =	vand.u32 $0x7, v3;
	v4 =	vand.u32 $0xFFFFFFF0, v63  }
0x133: {  	v3 =	vor.u32 v3, v4  }
0x134: {  	v4 =	vperm.xlane v3, v0;
	_ =	sdelay $0x1  }
0x135: {  	v3 =	vperm.xlane v3, v2;
	v4 =	vadd.s32 v1, v4;
	_ =	sdelay $0x1  }
0x136: {  	v3 =	vadd.s32 v1, v3;
	_ =	sdelay $0x1  }
0x137: {  	s31 =	simm.s32 $0xF100  }
0x138: {  	[tilespmem:s31], [sflag:$0x2] =	stream.indirect_vreg.gather [hbm4b:s1+s4], $0x80, v4, vm0, $0xb8;
	[tilespmem:$0x10180] =	vst v63  }
0x139: {  	_ = 	snop  }
0x13a: {  	[tilespmem:s10], [sflag:$0x2] =	stream.indirect_vreg.gather [hbm4b:s1+s4], $0x80, v3, vm0, $0xb8;
	[tilespmem:$0x10180] =	vst v63  }
.LBB2_4:
0x13b: {  	s7 =	sadd.s32 $0x40, s6  }
0x13c: {  	p3 =	slt.u32 s7, $0x432  }
.Ltmp5:
0x13d: {  	_ = 	snop;
	(pc) =	sbr.rel @p3 .LBB2_6-.Ltmp5, $4  }
0x13e: {  	_ =	swait.ge [sflag:s11], $0x8000  }
0x13f: {  	[sflag:s11] =	ssyncset.done $0x0  }
0x140: {  	[sflag:s11] =	ssyncadd.s32 $0xFFFF8000  }
0x141: {  	[hbm4b:s3+s4] =	stream.linear.scatter [tilespmem:s14], [sflag:$0x3], $0x8000, $0x38;
	[tilespmem:$0x10180] =	vst v63  }
.Ltmp6:
0x142: {  	(pc) =	sbr.rel .LBB2_7-.Ltmp6, $4  }
0x143: {  	_ = 	snop  }
0x144: {  	_ =	swait.ge [sflag:s12], $0x8000  }
0x145: {  	[sflag:s12] =	ssyncset.done $0x0  }
0x146: {  	[sflag:s12] =	ssyncadd.s32 $0xFFFF8000  }
.LBB2_8:
.Ltmp7:
0x147: {  	(pc) =	sbr.rel @p1 .LBB2_10-.Ltmp7, $4  }
0x148: {  	s2 =	simm.s32 @!p0 $0x4  }
0x149: {  	_ =	swait.ge @!p0 [sflag:s2], $0x8000  }
0x14a: {  	[sflag:s2] =	ssyncset.done @!p0 $0x0  }
0x14b: {  	s7 =	rddreg [dreg:$0xb];
	[sflag:s2] =	ssyncadd.s32 @!p0 $0xFFFF8000  }
0x14c: {  	s2 =	rddreg [dreg:$0x4];
	s3 =	simm.s32 $0x7  }
0x14d: {  	[tilespmem:s4], [sflag:$0x7] =	stream.linear.gather [hbm4b:s2+s4], $0x80, $0x38;
	[tilespmem:$0x10180] =	vst v63  }
0x14e: {  	_ =	swait.ge [sflag:s3], $0x80  }
0x14f: {  	[sflag:s3] =	ssyncset.done $0x0  }
0x150: {  	s6 =	simm.s32 $0x10100;
	s9 =	rddreg [dreg:$0x5];
	[sflag:s3] =	ssyncadd.s32 $0xFFFFFF80  }
0x151: {  	[tilespmem:s6], [sflag:$0x7] =	stream.linear.gather [hbm4b:s9+s4], $0x80, $0x38;
	[tilespmem:$0x10180] =	vst v63  }
0x152: {  	_ =	swait.ge [sflag:s3], $0x80  }
0x153: {  	[sflag:s3] =	ssyncset.done $0x0  }
0x154: {  	[sflag:s3] =	ssyncadd.s32 $0xFFFFFF80  }
0x155: {  	v3 =	vld [tilespmem:$0x0];
	_ =	sdelay $0x4  }
0x156: {  	v4 =	vshll.u32 v3, $0x1  }
0x157: {  	v3 =	vand.u32 $0x7, v3;
	v4 =	vand.u32 $0xFFFFFFF0, v4  }
0x158: {  	v3 =	vor.u32 v3, v4  }
0x159: {  	v4 =	vperm.xlane v3, v0;
	_ =	sdelay $0x1  }
0x15a: {  	v3 =	vperm.xlane v3, v2;
	v4 =	vadd.s32 v1, v4;
	_ =	sdelay $0x1  }
0x15b: {  	v3 =	vadd.s32 v1, v3;
	_ =	sdelay $0x2  }
0x15c: {  	[tilespmem:s14], [sflag:$0x1] =	stream.indirect_vreg.gather [hbm4b:s1+s4], $0x80, v4, vm0, $0xb8;
	[tilespmem:$0x10180] =	vst v63  }
0x15d: {  	_ = 	snop  }
0x15e: {  	[tilespmem:s15], [sflag:$0x1] =	stream.indirect_vreg.gather [hbm4b:s1+s4], $0x80, v3, vm0, $0xb8;
	[tilespmem:$0x10180] =	vst v63  }
0x15f: {  	v3 =	vld [tilespmem:$0x10];
	_ =	sdelay $0x4  }
0x160: {  	v49 =	vshll.u32 v3, $0x1  }
0x161: {  	v3 =	vand.u32 $0x7, v3;
	v4 =	vand.u32 $0xFFFFFFF0, v49  }
0x162: {  	v3 =	vor.u32 v3, v4  }
0x163: {  	v4 =	vperm.xlane v3, v0;
	_ =	sdelay $0x1  }
0x164: {  	v3 =	vperm.xlane v3, v2;
	v4 =	vadd.s32 v1, v4;
	_ =	sdelay $0x1  }
0x165: {  	v3 =	vadd.s32 v1, v3;
	_ =	sdelay $0x2  }
0x166: {  	[tilespmem:s16], [sflag:$0x1] =	stream.indirect_vreg.gather [hbm4b:s1+s4], $0x80, v4, vm0, $0xb8;
	[tilespmem:$0x10180] =	vst v63  }
0x167: {  	_ = 	snop  }
0x168: {  	[tilespmem:s17], [sflag:$0x1] =	stream.indirect_vreg.gather [hbm4b:s1+s4], $0x80, v3, vm0, $0xb8;
	[tilespmem:$0x10180] =	vst v63  }
0x169: {  	v3 =	vld [tilespmem:$0x20];
	_ =	sdelay $0x4  }
0x16a: {  	v50 =	vshll.u32 v3, $0x1  }
0x16b: {  	v3 =	vand.u32 $0x7, v3;
	v4 =	vand.u32 $0xFFFFFFF0, v50  }
0x16c: {  	v3 =	vor.u32 v3, v4  }
0x16d: {  	v4 =	vperm.xlane v3, v0;
	_ =	sdelay $0x1  }
0x16e: {  	v3 =	vperm.xlane v3, v2;
	v4 =	vadd.s32 v1, v4;
	_ =	sdelay $0x1  }
0x16f: {  	v3 =	vadd.s32 v1, v3;
	_ =	sdelay $0x2  }
0x170: {  	[tilespmem:s18], [sflag:$0x1] =	stream.indirect_vreg.gather [hbm4b:s1+s4], $0x80, v4, vm0, $0xb8;
	[tilespmem:$0x10180] =	vst v63  }
0x171: {  	_ = 	snop  }
0x172: {  	[tilespmem:s19], [sflag:$0x1] =	stream.indirect_vreg.gather [hbm4b:s1+s4], $0x80, v3, vm0, $0xb8;
	[tilespmem:$0x10180] =	vst v63  }
0x173: {  	v3 =	vld [tilespmem:$0x30];
	_ =	sdelay $0x4  }
0x174: {  	v51 =	vshll.u32 v3, $0x1  }
0x175: {  	v3 =	vand.u32 $0x7, v3;
	v4 =	vand.u32 $0xFFFFFFF0, v51  }
0x176: {  	v3 =	vor.u32 v3, v4  }
0x177: {  	v4 =	vperm.xlane v3, v0;
	_ =	sdelay $0x1  }
0x178: {  	v3 =	vperm.xlane v3, v2;
	v4 =	vadd.s32 v1, v4;
	_ =	sdelay $0x1  }
0x179: {  	v3 =	vadd.s32 v1, v3;
	_ =	sdelay $0x2  }
0x17a: {  	[tilespmem:s20], [sflag:$0x1] =	stream.indirect_vreg.gather [hbm4b:s1+s4], $0x80, v4, vm0, $0xb8;
	[tilespmem:$0x10180] =	vst v63  }
0x17b: {  	_ = 	snop  }
0x17c: {  	[tilespmem:s21], [sflag:$0x1] =	stream.indirect_vreg.gather [hbm4b:s1+s4], $0x80, v3, vm0, $0xb8;
	[tilespmem:$0x10180] =	vst v63  }
0x17d: {  	v3 =	vld [tilespmem:$0x40];
	_ =	sdelay $0x4  }
0x17e: {  	v52 =	vshll.u32 v3, $0x1  }
0x17f: {  	v3 =	vand.u32 $0x7, v3;
	v4 =	vand.u32 $0xFFFFFFF0, v52  }
0x180: {  	v3 =	vor.u32 v3, v4  }
0x181: {  	v4 =	vperm.xlane v3, v0;
	_ =	sdelay $0x1  }
0x182: {  	v3 =	vperm.xlane v3, v2;
	v4 =	vadd.s32 v1, v4;
	_ =	sdelay $0x1  }
0x183: {  	v3 =	vadd.s32 v1, v3;
	_ =	sdelay $0x2  }
0x184: {  	[tilespmem:s22], [sflag:$0x1] =	stream.indirect_vreg.gather [hbm4b:s1+s4], $0x80, v4, vm0, $0xb8;
	[tilespmem:$0x10180] =	vst v63  }
0x185: {  	_ = 	snop  }
0x186: {  	[tilespmem:s23], [sflag:$0x1] =	stream.indirect_vreg.gather [hbm4b:s1+s4], $0x80, v3, vm0, $0xb8;
	[tilespmem:$0x10180] =	vst v63  }
0x187: {  	v3 =	vld [tilespmem:$0x50];
	_ =	sdelay $0x4  }
0x188: {  	v53 =	vshll.u32 v3, $0x1  }
0x189: {  	v3 =	vand.u32 $0x7, v3;
	v4 =	vand.u32 $0xFFFFFFF0, v53  }
0x18a: {  	v3 =	vor.u32 v3, v4  }
0x18b: {  	v4 =	vperm.xlane v3, v0;
	_ =	sdelay $0x1  }
0x18c: {  	v3 =	vperm.xlane v3, v2;
	v4 =	vadd.s32 v1, v4;
	_ =	sdelay $0x1  }
0x18d: {  	v3 =	vadd.s32 v1, v3;
	_ =	sdelay $0x2  }
0x18e: {  	[tilespmem:s24], [sflag:$0x1] =	stream.indirect_vreg.gather [hbm4b:s1+s4], $0x80, v4, vm0, $0xb8;
	[tilespmem:$0x10180] =	vst v63  }
0x18f: {  	_ = 	snop  }
0x190: {  	[tilespmem:s25], [sflag:$0x1] =	stream.indirect_vreg.gather [hbm4b:s1+s4], $0x80, v3, vm0, $0xb8;
	[tilespmem:$0x10180] =	vst v63  }
0x191: {  	v3 =	vld [tilespmem:$0x60];
	_ =	sdelay $0x4  }
0x192: {  	v54 =	vshll.u32 v3, $0x1  }
0x193: {  	v3 =	vand.u32 $0x7, v3;
	v4 =	vand.u32 $0xFFFFFFF0, v54  }
0x194: {  	v3 =	vor.u32 v3, v4  }
0x195: {  	v4 =	vperm.xlane v3, v0;
	_ =	sdelay $0x1  }
0x196: {  	v3 =	vperm.xlane v3, v2;
	v4 =	vadd.s32 v1, v4;
	_ =	sdelay $0x1  }
0x197: {  	v3 =	vadd.s32 v1, v3;
	_ =	sdelay $0x2  }
0x198: {  	[tilespmem:s26], [sflag:$0x1] =	stream.indirect_vreg.gather [hbm4b:s1+s4], $0x80, v4, vm0, $0xb8;
	[tilespmem:$0x10180] =	vst v63  }
0x199: {  	_ = 	snop  }
0x19a: {  	[tilespmem:s28], [sflag:$0x1] =	stream.indirect_vreg.gather [hbm4b:s1+s4], $0x80, v3, vm0, $0xb8;
	[tilespmem:$0x10180] =	vst v63  }
0x19b: {  	v3 =	vld [tilespmem:$0x70];
	_ =	sdelay $0x4  }
0x19c: {  	v55 =	vshll.u32 v3, $0x1  }
0x19d: {  	v3 =	vand.u32 $0x7, v3;
	v4 =	vand.u32 $0xFFFFFFF0, v55  }
0x19e: {  	v3 =	vor.u32 v3, v4  }
0x19f: {  	v4 =	vperm.xlane v3, v0;
	_ =	sdelay $0x1  }
0x1a0: {  	v3 =	vperm.xlane v3, v2;
	v4 =	vadd.s32 v1, v4;
	_ =	sdelay $0x1  }
0x1a1: {  	v3 =	vadd.s32 v1, v3;
	_ =	sdelay $0x2  }
0x1a2: {  	[tilespmem:s29], [sflag:$0x1] =	stream.indirect_vreg.gather [hbm4b:s1+s4], $0x80, v4, vm0, $0xb8;
	[tilespmem:$0x10180] =	vst v63  }
0x1a3: {  	_ = 	snop  }
0x1a4: {  	[tilespmem:s30], [sflag:$0x1] =	stream.indirect_vreg.gather [hbm4b:s1+s4], $0x80, v3, vm0, $0xb8;
	[tilespmem:$0x10180] =	vst v63  }
0x1a5: {  	_ =	swait.ge [sflag:s11], $0x8000  }
0x1a6: {  	[sflag:s11] =	ssyncset.done $0x0  }
0x1a7: {  	[sflag:s11] =	ssyncadd.s32 $0xFFFF8000  }
0x1a8: {  	v3 =	vld [tilespmem:$0x10100];
	_ =	sdelay $0x4  }
0x1a9: {  	v56 =	vshll.u32 v3, $0x1  }
0x1aa: {  	v3 =	vand.u32 $0x7, v3;
	v4 =	vand.u32 $0xFFFFFFF0, v56  }
0x1ab: {  	v3 =	vor.u32 v3, v4  }
0x1ac: {  	v4 =	vperm.xlane v3, v0;
	_ =	sdelay $0x1  }
0x1ad: {  	v3 =	vperm.xlane v3, v2;
	v4 =	vadd.s32 v1, v4;
	_ =	sdelay $0x1  }
0x1ae: {  	v3 =	vadd.s32 v1, v3;
	_ =	sdelay $0x1  }
0x1af: {  	s31 =	rddreg [dreg:$0x2]  }
0x1b0: {  	[hbm4b:s31+s4] =	stream.indirect_vreg.scatter [tilespmem:s14], [sflag:$0x3], $0x80, v4, vm0, $0xb8;
	[tilespmem:$0x10180] =	vst v63  }
0x1b1: {  	_ = 	snop  }
0x1b2: {  	[hbm4b:s31+s4] =	stream.indirect_vreg.scatter [tilespmem:s15], [sflag:$0x3], $0x80, v3, vm0, $0xb8;
	[tilespmem:$0x10180] =	vst v63  }
0x1b3: {  	v3 =	vld [tilespmem:$0x10110];
	_ =	sdelay $0x4  }
0x1b4: {  	v57 =	vshll.u32 v3, $0x1  }
0x1b5: {  	v3 =	vand.u32 $0x7, v3;
	v4 =	vand.u32 $0xFFFFFFF0, v57  }
0x1b6: {  	v3 =	vor.u32 v3, v4  }
0x1b7: {  	v4 =	vperm.xlane v3, v0;
	_ =	sdelay $0x1  }
0x1b8: {  	v3 =	vperm.xlane v3, v2;
	v4 =	vadd.s32 v1, v4;
	_ =	sdelay $0x1  }
0x1b9: {  	v3 =	vadd.s32 v1, v3;
	_ =	sdelay $0x2  }
0x1ba: {  	[hbm4b:s31+s4] =	stream.indirect_vreg.scatter [tilespmem:s16], [sflag:$0x3], $0x80, v4, vm0, $0xb8;
	[tilespmem:$0x10180] =	vst v63  }
0x1bb: {  	_ = 	snop  }
0x1bc: {  	[hbm4b:s31+s4] =	stream.indirect_vreg.scatter [tilespmem:s17], [sflag:$0x3], $0x80, v3, vm0, $0xb8;
	[tilespmem:$0x10180] =	vst v63  }
0x1bd: {  	v3 =	vld [tilespmem:$0x10120];
	_ =	sdelay $0x4  }
0x1be: {  	v58 =	vshll.u32 v3, $0x1  }
0x1bf: {  	v3 =	vand.u32 $0x7, v3;
	v4 =	vand.u32 $0xFFFFFFF0, v58  }
0x1c0: {  	v3 =	vor.u32 v3, v4  }
0x1c1: {  	v4 =	vperm.xlane v3, v0;
	_ =	sdelay $0x1  }
0x1c2: {  	v3 =	vperm.xlane v3, v2;
	v4 =	vadd.s32 v1, v4;
	_ =	sdelay $0x1  }
0x1c3: {  	v3 =	vadd.s32 v1, v3;
	_ =	sdelay $0x2  }
0x1c4: {  	[hbm4b:s31+s4] =	stream.indirect_vreg.scatter [tilespmem:s18], [sflag:$0x3], $0x80, v4, vm0, $0xb8;
	[tilespmem:$0x10180] =	vst v63  }
0x1c5: {  	_ = 	snop  }
0x1c6: {  	[hbm4b:s31+s4] =	stream.indirect_vreg.scatter [tilespmem:s19], [sflag:$0x3], $0x80, v3, vm0, $0xb8;
	[tilespmem:$0x10180] =	vst v63  }
0x1c7: {  	v3 =	vld [tilespmem:$0x10130];
	_ =	sdelay $0x4  }
0x1c8: {  	v59 =	vshll.u32 v3, $0x1  }
0x1c9: {  	v3 =	vand.u32 $0x7, v3;
	v4 =	vand.u32 $0xFFFFFFF0, v59  }
0x1ca: {  	v3 =	vor.u32 v3, v4  }
0x1cb: {  	v4 =	vperm.xlane v3, v0;
	_ =	sdelay $0x1  }
0x1cc: {  	v3 =	vperm.xlane v3, v2;
	v4 =	vadd.s32 v1, v4;
	_ =	sdelay $0x1  }
0x1cd: {  	v3 =	vadd.s32 v1, v3;
	_ =	sdelay $0x2  }
0x1ce: {  	[hbm4b:s31+s4] =	stream.indirect_vreg.scatter [tilespmem:s20], [sflag:$0x3], $0x80, v4, vm0, $0xb8;
	[tilespmem:$0x10180] =	vst v63  }
0x1cf: {  	_ = 	snop  }
0x1d0: {  	[hbm4b:s31+s4] =	stream.indirect_vreg.scatter [tilespmem:s21], [sflag:$0x3], $0x80, v3, vm0, $0xb8;
	[tilespmem:$0x10180] =	vst v63  }
0x1d1: {  	v3 =	vld [tilespmem:$0x10140];
	_ =	sdelay $0x4  }
0x1d2: {  	v60 =	vshll.u32 v3, $0x1  }
0x1d3: {  	v3 =	vand.u32 $0x7, v3;
	v4 =	vand.u32 $0xFFFFFFF0, v60  }
0x1d4: {  	v3 =	vor.u32 v3, v4  }
0x1d5: {  	v4 =	vperm.xlane v3, v0;
	_ =	sdelay $0x1  }
0x1d6: {  	v3 =	vperm.xlane v3, v2;
	v4 =	vadd.s32 v1, v4;
	_ =	sdelay $0x1  }
0x1d7: {  	v3 =	vadd.s32 v1, v3;
	_ =	sdelay $0x2  }
0x1d8: {  	[hbm4b:s31+s4] =	stream.indirect_vreg.scatter [tilespmem:s22], [sflag:$0x3], $0x80, v4, vm0, $0xb8;
	[tilespmem:$0x10180] =	vst v63  }
0x1d9: {  	_ = 	snop  }
0x1da: {  	[hbm4b:s31+s4] =	stream.indirect_vreg.scatter [tilespmem:s23], [sflag:$0x3], $0x80, v3, vm0, $0xb8;
	[tilespmem:$0x10180] =	vst v63  }
0x1db: {  	v3 =	vld [tilespmem:$0x10150];
	_ =	sdelay $0x4  }
0x1dc: {  	v61 =	vshll.u32 v3, $0x1  }
0x1dd: {  	v3 =	vand.u32 $0x7, v3;
	v4 =	vand.u32 $0xFFFFFFF0, v61  }
0x1de: {  	v3 =	vor.u32 v3, v4  }
0x1df: {  	v4 =	vperm.xlane v3, v0;
	_ =	sdelay $0x1  }
0x1e0: {  	v3 =	vperm.xlane v3, v2;
	v4 =	vadd.s32 v1, v4;
	_ =	sdelay $0x1  }
0x1e1: {  	v3 =	vadd.s32 v1, v3;
	_ =	sdelay $0x2  }
0x1e2: {  	[hbm4b:s31+s4] =	stream.indirect_vreg.scatter [tilespmem:s24], [sflag:$0x3], $0x80, v4, vm0, $0xb8;
	[tilespmem:$0x10180] =	vst v63  }
0x1e3: {  	_ = 	snop  }
0x1e4: {  	[hbm4b:s31+s4] =	stream.indirect_vreg.scatter [tilespmem:s25], [sflag:$0x3], $0x80, v3, vm0, $0xb8;
	[tilespmem:$0x10180] =	vst v63  }
0x1e5: {  	v3 =	vld [tilespmem:$0x10160];
	_ =	sdelay $0x4  }
0x1e6: {  	v62 =	vshll.u32 v3, $0x1  }
0x1e7: {  	v3 =	vand.u32 $0x7, v3;
	v4 =	vand.u32 $0xFFFFFFF0, v62  }
0x1e8: {  	v3 =	vor.u32 v3, v4  }
0x1e9: {  	v4 =	vperm.xlane v3, v0;
	_ =	sdelay $0x1  }
0x1ea: {  	v3 =	vperm.xlane v3, v2;
	v4 =	vadd.s32 v1, v4;
	_ =	sdelay $0x1  }
0x1eb: {  	v3 =	vadd.s32 v1, v3;
	_ =	sdelay $0x2  }
0x1ec: {  	[hbm4b:s31+s4] =	stream.indirect_vreg.scatter [tilespmem:s26], [sflag:$0x3], $0x80, v4, vm0, $0xb8;
	[tilespmem:$0x10180] =	vst v63  }
0x1ed: {  	_ = 	snop  }
0x1ee: {  	[hbm4b:s31+s4] =	stream.indirect_vreg.scatter [tilespmem:s28], [sflag:$0x3], $0x80, v3, vm0, $0xb8;
	[tilespmem:$0x10180] =	vst v63  }
0x1ef: {  	v3 =	vld [tilespmem:$0x10170];
	_ =	sdelay $0x4  }
0x1f0: {  	v63 =	vshll.u32 v3, $0x1  }
0x1f1: {  	v3 =	vand.u32 $0x7, v3;
	v4 =	vand.u32 $0xFFFFFFF0, v63  }
0x1f2: {  	v3 =	vor.u32 v3, v4  }
0x1f3: {  	v4 =	vperm.xlane v3, v0;
	_ =	sdelay $0x1  }
0x1f4: {  	v3 =	vperm.xlane v3, v2;
	v4 =	vadd.s32 v1, v4;
	_ =	sdelay $0x1  }
0x1f5: {  	v3 =	vadd.s32 v1, v3;
	_ =	sdelay $0x2  }
0x1f6: {  	[hbm4b:s31+s4] =	stream.indirect_vreg.scatter [tilespmem:s29], [sflag:$0x3], $0x80, v4, vm0, $0xb8;
	[tilespmem:$0x10180] =	vst v63  }
.Ltmp8:
0x1f7: {  	_ = 	snop;
	(pc) =	sbr.rel .LBB2_10-.Ltmp8, $4  }
0x1f8: {  	[hbm4b:s31+s4] =	stream.indirect_vreg.scatter [tilespmem:s30], [sflag:$0x3], $0x80, v3, vm0, $0xb8;
	[tilespmem:$0x10180] =	vst v63  }
0x1f9: {  	_ =	swait.ge [sflag:s12], $0x8000  }
0x1fa: {  	[sflag:s12] =	ssyncset.done $0x0  }
0x1fb: {  	[sflag:s12] =	ssyncadd.s32 $0xFFFF8000  }
.LBB2_11:
0x1fc: {  	_ =	sfence.sel $0x180000  }
0x1fd: {  	[bflag:$0x0] =	sbarrier.arrive $0xFFFF  }
0x1fe: {  	_ =	strace $0x90000047  }
0x1ff: {  	s0 =	stileid.u32;
	[bflag:$0x2] =	sbarrier.arrive $0xFFFF  }
0x200: {  	p0 =	sne.s32 s0, $0x0;
	s0 =	rddreg [dreg:$0x3]  }
0x201: {  	s0 =	sadd.s32 @!p0 $0x100000, s0  }
0x202: {  	[sflag:s0] =	ssyncadd.tile.s32 @!p0 $0x1;
	_ =	shalt  }
.Lfunc_end2:
_tile_overlayer_lowered:
.L_overlay_start_2:
0x203: {  	(tag) =	ssettag $0x2  }
0x204: {  	s0 =	rddreg [dreg:$0x0];
	s2 =	stileid.u32  }
0x205: {  	s1 =	rddreg [dreg:$0x1];
	p0 =	sne.s32 s2, $0x0  }
0x206: {  	s3 =	rddreg [dreg:$0x2];
	[bflag:$0x3] =	sbarrier.arrive $0xFFFF;
	s2 =	simm.s32 @!p0 $0x1C07  }
0x207: {  	[timem:s3], [sflag:s2] =	dma.local @!p0 [hbm:s0], s1  }
0x208: {  	s0 =	simm.s32 @!p0 $0x7  }
0x209: {  	_ =	swait.ge @!p0 [sflag:s0], s1  }
0x20a: {  	s1 =	ssub.s32 @!p0 $0x0, s1;
	[sflag:s0] =	ssyncset.done @!p0 $0x0  }
0x20b: {  	[sflag:s0] =	ssyncadd.s32 @!p0 s1  }
0x20c: {  	[bflag:$0x3] =	sbarrier.arrive $0xFFFF  }
0x20d: {  	_ =	shalt  }

</sc_bundles>
